<compile_context>
chip_gen: v7x
topology: tpu7x:2x2x1
jax: 0.10.2.dev20260603
libtpu: 0.0.44.dev20260713+nightly
codegen_flags: <defaults>
</compile_context>

<pallas_src>
import functools

import jax
import jax.numpy as jnp
from jax import lax
from jax.experimental import pallas as pl
from jax.experimental.pallas import tpu as pltpu
from jax.experimental.pallas import tpu_sc as plsc

_NUM_SEQS = 26
_VOCAB = 100000
_DIM = 32
_BATCH = 1024
_HIST = 20

_NC, _NS = 2, 16
_NW = _NC * _NS
_ROWS = _BATCH * _HIST * _NUM_SEQS
_R_W = _ROWS // _NW
_CH = 416
_NCH = _R_W // _CH
_SLOTS = 8
_LOOK = 4


def _make_gather():
    mesh = plsc.VectorSubcoreMesh(core_axis_name="c", subcore_axis_name="s")

    @functools.partial(
        pl.kernel,
        mesh=mesh,
        out_type=jax.ShapeDtypeStruct((_ROWS, _DIM), jnp.float32),
        scratch_types=(
            [pltpu.VMEM((_R_W,), jnp.int32)]
            + [pltpu.VMEM((_CH, _DIM), jnp.float32) for _ in range(_SLOTS)]
            + [pltpu.SemaphoreType.DMA for _ in range(_SLOTS)]
        ),
        compiler_params=pltpu.CompilerParams(use_tc_tiling_on_sc=False),
    )
    def gather_kernel(idx_hbm, tab_hbm, out_hbm, idx_v, *scratch):
        bufs = scratch[:_SLOTS]
        sems = scratch[_SLOTS:]
        wid = lax.axis_index("s") * _NC + lax.axis_index("c")
        base = wid * _R_W

        pltpu.sync_copy(idx_hbm.at[pl.ds(base, _R_W)], idx_v)

        def g_start(c, slot):
            pltpu.make_async_copy(
                tab_hbm.at[idx_v.at[pl.ds(c * _CH, _CH)]], bufs[slot],
                sems[slot],
            ).start()

        def g_wait(c, slot):
            pltpu.make_async_copy(
                tab_hbm.at[idx_v.at[pl.ds(c * _CH, _CH)]], bufs[slot],
                sems[slot],
            ).wait()

        def put(c, slot):
            pltpu.sync_copy(bufs[slot], out_hbm.at[pl.ds(base + c * _CH, _CH)])

        for c in range(_LOOK):
            g_start(c, c % _SLOTS)

        def block(b, carry):
            for k in range(_SLOTS):
                c = b * _SLOTS + k
                g_wait(c, k)
                put(c, k)
                nc = c + _LOOK

                @pl.when(nc < _NCH)
                def _():
                    g_start(nc, (k + _LOOK) % _SLOTS)
            return carry

        lax.fori_loop(0, _NCH // _SLOTS, block, 0)

    return gather_kernel


_gather = _make_gather()


def kernel(users_seqs, tables):
    offs = (jnp.arange(_NUM_SEQS, dtype=jnp.int32) * _VOCAB)[None, None, :]
    idx = (jnp.transpose(users_seqs, (0, 2, 1)) + offs).reshape(_ROWS)
    tab = tables.reshape(_NUM_SEQS * _VOCAB, _DIM)
    out = _gather(idx, tab)
    return out.reshape(_BATCH, _HIST, _NUM_SEQS * _DIM)

# --- scband reference (transcript-rebuilt; emitter-appended) ---
"""Pipeline reference for scband-embed-net-35605278884173 (READ-ONLY COPY).

The authoritative reference and input builder live on the scoring server;
editing this copy changes nothing except your own understanding.
"""

import jax, jax.numpy as jnp
import numpy as np

NUM_SEQS = 26
VOCAB = 100000
DIM = 32
BATCH = 1024
HIST = 20


def setup_inputs(seed: int = 0) -> dict:
    key = jax.random.key(seed)
    k1, k2 = jax.random.split(key)
    # index tensor: [batch, num_seqs, hist_len], values in [0, VOCAB)
    users_seqs = jax.random.randint(k1, (BATCH, NUM_SEQS, HIST), 0, VOCAB, dtype=jnp.int32)
    # 26 pretrained embedding tables, stacked: [num_seqs, vocab, dim]
    tables = jax.random.normal(k2, (NUM_SEQS, VOCAB, DIM), dtype=jnp.float32)
    # padding_idx=0 -> row 0 conventionally zero in pretrained tables
    tables = tables.at[:, 0, :].set(0.0)
    return {"users_seqs": users_seqs, "tables": tables}


def reference(users_seqs, tables):
    # users_seqs.permute(1, 0, 2): [num_seqs, batch, hist_len]
    seqs = jnp.transpose(users_seqs, (1, 0, 2))
    # per-table embedding lookup: [num_seqs, batch, hist_len, dim]
    emb = jax.vmap(lambda t, s: jnp.take(t, s, axis=0))(tables, seqs)
    # torch.cat(embeddings, dim=2): [batch, hist_len, num_seqs * dim]
    out = jnp.transpose(emb, (1, 2, 0, 3)).reshape(seqs.shape[1], seqs.shape[2], -1)
    return out

if __name__ == "__main__":
    import jax
    _d = setup_inputs()
    print(jax.jit(kernel)(*tuple(_d.values())))

</pallas_src>

<mosaic_0001>
#map = affine_map<(d0, d1) -> (0)>
#map1 = affine_map<(d0, d1) -> (0, 0)>
module attributes {stable_mosaic.version = 14 : i64} {
  func.func @gather_kernel(%arg0: i32, %arg1: i32, %arg2: memref<532480xi32, #tpu.memory_space<hbm>>, %arg3: memref<2600000x32xf32, #tpu.memory_space<hbm>>, %arg4: memref<532480x32xf32, #tpu.memory_space<hbm>>, %arg5: memref<16640xi32, #tpu.memory_space<vmem>>, %arg6: memref<416x32xf32, #tpu.memory_space<vmem>>, %arg7: memref<416x32xf32, #tpu.memory_space<vmem>>, %arg8: memref<416x32xf32, #tpu.memory_space<vmem>>, %arg9: memref<416x32xf32, #tpu.memory_space<vmem>>, %arg10: memref<416x32xf32, #tpu.memory_space<vmem>>, %arg11: memref<416x32xf32, #tpu.memory_space<vmem>>, %arg12: memref<416x32xf32, #tpu.memory_space<vmem>>, %arg13: memref<416x32xf32, #tpu.memory_space<vmem>>, %arg14: memref<!tpu.dma_semaphore, #tpu.memory_space<semaphore_mem>>, %arg15: memref<!tpu.dma_semaphore, #tpu.memory_space<semaphore_mem>>, %arg16: memref<!tpu.dma_semaphore, #tpu.memory_space<semaphore_mem>>, %arg17: memref<!tpu.dma_semaphore, #tpu.memory_space<semaphore_mem>>, %arg18: memref<!tpu.dma_semaphore, #tpu.memory_space<semaphore_mem>>, %arg19: memref<!tpu.dma_semaphore, #tpu.memory_space<semaphore_mem>>, %arg20: memref<!tpu.dma_semaphore, #tpu.memory_space<semaphore_mem>>, %arg21: memref<!tpu.dma_semaphore, #tpu.memory_space<semaphore_mem>>) attributes {dimension_semantics = [#tpu.dimension_semantics<core_parallel>, #tpu.dimension_semantics<subcore_parallel>], iteration_bounds = array<i64: 2, 16>, scalar_prefetch = 0 : i64, scratch_operands = 17 : i64, tpu.core_type = #tpu.core_type<sc_vector_subcore>, window_params = [{transform_indices = #map}, {transform_indices = #map1}, {transform_indices = #map1}]} {
    %mul3A = arith.constant 2 : i32
    %mul3A_0 = arith.muli %arg1, %mul3A : i32
    %add3A = arith.addi %mul3A_0, %arg0 : i32
    %mul3A_1 = arith.constant 16640 : i32
    %mul3A_2 = arith.muli %add3A, %mul3A_1 : i32
    "tpu.region"() ({
      %run_scoped3A = tpu.sem_alloc : memref<!tpu.dma_semaphore, #tpu.memory_space<semaphore_mem>>
      %dma_start3A_27 = tpu.memref_slice %arg2[%mul3A_2] : memref<532480xi32, #tpu.memory_space<hbm>> -> memref<16640xi32, #tpu.memory_space<hbm>>
      %dma_start3A_28 = tpu.memref_slice %arg2[%mul3A_2] : memref<532480xi32, #tpu.memory_space<hbm>> -> memref<16640xi32, #tpu.memory_space<hbm>>
      tpu.enqueue_dma source(%dma_start3A_28 : memref<16640xi32, #tpu.memory_space<hbm>>) target(%arg5 : memref<16640xi32, #tpu.memory_space<vmem>>) target_semaphore(%run_scoped3A : memref<!tpu.dma_semaphore, #tpu.memory_space<semaphore_mem>>)
      %dma_wait3A = tpu.memref_slice %arg2[%mul3A_2] : memref<532480xi32, #tpu.memory_space<hbm>> -> memref<16640xi32, #tpu.memory_space<hbm>>
      %dma_wait3A_29 = tpu.memref_slice %arg2[%mul3A_2] : memref<532480xi32, #tpu.memory_space<hbm>> -> memref<16640xi32, #tpu.memory_space<hbm>>
      tpu.wait_dma2 semaphore(%run_scoped3A : memref<!tpu.dma_semaphore, #tpu.memory_space<semaphore_mem>>) src(%dma_wait3A_29 : memref<16640xi32, #tpu.memory_space<hbm>>) dst(%arg5 : memref<16640xi32, #tpu.memory_space<vmem>>)
      tpu.yield
    }) : () -> ()
    %dma_start3A = arith.constant 0 : i32
    %dma_start3A_3 = tpu.memref_slice %arg5[%dma_start3A] : memref<16640xi32, #tpu.memory_space<vmem>> -> memref<416xi32, #tpu.memory_space<vmem>>
    %dma_start3A_4 = arith.constant 0 : i32
    %dma_start3A_5 = arith.constant 0 : i32
    %dma_start3A_6 = tpu.memref_slice %arg3[%dma_start3A_4, %dma_start3A_5] : memref<2600000x32xf32, #tpu.memory_space<hbm>> -> memref<2600000x32xf32, #tpu.memory_space<hbm>>
    tpu.enqueue_indirect_dma source(%dma_start3A_6 : memref<2600000x32xf32, #tpu.memory_space<hbm>>) target(%arg6 : memref<416x32xf32, #tpu.memory_space<vmem>>) offsets(%dma_start3A_3 : memref<416xi32, #tpu.memory_space<vmem>>) semaphore(%arg14 : memref<!tpu.dma_semaphore, #tpu.memory_space<semaphore_mem>>)
    %dma_start3A_7 = arith.constant 416 : i32
    %dma_start3A_8 = tpu.memref_slice %arg5[%dma_start3A_7] : memref<16640xi32, #tpu.memory_space<vmem>> -> memref<416xi32, #tpu.memory_space<vmem>>
    %dma_start3A_9 = arith.constant 0 : i32
    %dma_start3A_10 = arith.constant 0 : i32
    %dma_start3A_11 = tpu.memref_slice %arg3[%dma_start3A_9, %dma_start3A_10] : memref<2600000x32xf32, #tpu.memory_space<hbm>> -> memref<2600000x32xf32, #tpu.memory_space<hbm>>
    tpu.enqueue_indirect_dma source(%dma_start3A_11 : memref<2600000x32xf32, #tpu.memory_space<hbm>>) target(%arg7 : memref<416x32xf32, #tpu.memory_space<vmem>>) offsets(%dma_start3A_8 : memref<416xi32, #tpu.memory_space<vmem>>) semaphore(%arg15 : memref<!tpu.dma_semaphore, #tpu.memory_space<semaphore_mem>>)
    %dma_start3A_12 = arith.constant 832 : i32
    %dma_start3A_13 = tpu.memref_slice %arg5[%dma_start3A_12] : memref<16640xi32, #tpu.memory_space<vmem>> -> memref<416xi32, #tpu.memory_space<vmem>>
    %dma_start3A_14 = arith.constant 0 : i32
    %dma_start3A_15 = arith.constant 0 : i32
    %dma_start3A_16 = tpu.memref_slice %arg3[%dma_start3A_14, %dma_start3A_15] : memref<2600000x32xf32, #tpu.memory_space<hbm>> -> memref<2600000x32xf32, #tpu.memory_space<hbm>>
    tpu.enqueue_indirect_dma source(%dma_start3A_16 : memref<2600000x32xf32, #tpu.memory_space<hbm>>) target(%arg8 : memref<416x32xf32, #tpu.memory_space<vmem>>) offsets(%dma_start3A_13 : memref<416xi32, #tpu.memory_space<vmem>>) semaphore(%arg16 : memref<!tpu.dma_semaphore, #tpu.memory_space<semaphore_mem>>)
    %dma_start3A_17 = arith.constant 1248 : i32
    %dma_start3A_18 = tpu.memref_slice %arg5[%dma_start3A_17] : memref<16640xi32, #tpu.memory_space<vmem>> -> memref<416xi32, #tpu.memory_space<vmem>>
    %dma_start3A_19 = arith.constant 0 : i32
    %dma_start3A_20 = arith.constant 0 : i32
    %dma_start3A_21 = tpu.memref_slice %arg3[%dma_start3A_19, %dma_start3A_20] : memref<2600000x32xf32, #tpu.memory_space<hbm>> -> memref<2600000x32xf32, #tpu.memory_space<hbm>>
    tpu.enqueue_indirect_dma source(%dma_start3A_21 : memref<2600000x32xf32, #tpu.memory_space<hbm>>) target(%arg9 : memref<416x32xf32, #tpu.memory_space<vmem>>) offsets(%dma_start3A_18 : memref<416xi32, #tpu.memory_space<vmem>>) semaphore(%arg17 : memref<!tpu.dma_semaphore, #tpu.memory_space<semaphore_mem>>)
    %scan3A = arith.constant 0 : i32
    %scan3A_22 = arith.constant 0 : i32
    %scan3A_23 = arith.constant 5 : i32
    %scan3A_24 = arith.addi %scan3A_22, %scan3A_23 : i32
    %scan3A_25 = arith.constant 1 : i32
    scf.for %scan3A_27 = %scan3A_22 to %scan3A_24 step %scan3A_25  : i32 {
      %mul3A_28 = arith.constant 8 : i32
      %mul3A_29 = arith.muli %scan3A_27, %mul3A_28 : i32
      %add3A_30 = arith.constant 0 : i32
      %add3A_31 = arith.addi %mul3A_29, %add3A_30 : i32
      %mul3A_32 = arith.constant 416 : i32
      %mul3A_33 = arith.muli %add3A_31, %mul3A_32 : i32
      %dma_wait3A = tpu.memref_slice %arg5[%mul3A_33] : memref<16640xi32, #tpu.memory_space<vmem>> -> memref<416xi32, #tpu.memory_space<vmem>>
      %dma_wait3A_34 = arith.constant 0 : i32
      %dma_wait3A_35 = arith.constant 0 : i32
      %dma_wait3A_36 = tpu.memref_slice %arg3[%dma_wait3A_34, %dma_wait3A_35] : memref<2600000x32xf32, #tpu.memory_space<hbm>> -> memref<2600000x32xf32, #tpu.memory_space<hbm>>
      tpu.wait_indirect_dma semaphore(%arg14 : memref<!tpu.dma_semaphore, #tpu.memory_space<semaphore_mem>>) src(%dma_wait3A_36 : memref<2600000x32xf32, #tpu.memory_space<hbm>>) dst(%arg6 : memref<416x32xf32, #tpu.memory_space<vmem>>)
      %mul3A_37 = arith.constant 416 : i32
      %mul3A_38 = arith.muli %add3A_31, %mul3A_37 : i32
      %add3A_39 = arith.addi %mul3A_2, %mul3A_38 : i32
      "tpu.region"() ({
        %run_scoped3A = tpu.sem_alloc : memref<!tpu.dma_semaphore, #tpu.memory_space<semaphore_mem>>
        %dma_start3A_184 = arith.constant 0 : i32
        %dma_start3A_185 = tpu.memref_slice %arg4[%add3A_39, %dma_start3A_184] : memref<532480x32xf32, #tpu.memory_space<hbm>> -> memref<416x32xf32, #tpu.memory_space<hbm>>
        %dma_start3A_186 = arith.constant 0 : i32
        %dma_start3A_187 = tpu.memref_slice %arg4[%add3A_39, %dma_start3A_186] : memref<532480x32xf32, #tpu.memory_space<hbm>> -> memref<416x32xf32, #tpu.memory_space<hbm>>
        tpu.enqueue_dma source(%arg6 : memref<416x32xf32, #tpu.memory_space<vmem>>) target(%dma_start3A_187 : memref<416x32xf32, #tpu.memory_space<hbm>>) target_semaphore(%run_scoped3A : memref<!tpu.dma_semaphore, #tpu.memory_space<semaphore_mem>>)
        %dma_wait3A_188 = arith.constant 0 : i32
        %dma_wait3A_189 = tpu.memref_slice %arg4[%add3A_39, %dma_wait3A_188] : memref<532480x32xf32, #tpu.memory_space<hbm>> -> memref<416x32xf32, #tpu.memory_space<hbm>>
        %dma_wait3A_190 = arith.constant 0 : i32
        %dma_wait3A_191 = tpu.memref_slice %arg4[%add3A_39, %dma_wait3A_190] : memref<532480x32xf32, #tpu.memory_space<hbm>> -> memref<416x32xf32, #tpu.memory_space<hbm>>
        tpu.wait_dma2 semaphore(%run_scoped3A : memref<!tpu.dma_semaphore, #tpu.memory_space<semaphore_mem>>) src(%arg6 : memref<416x32xf32, #tpu.memory_space<vmem>>) dst(%dma_wait3A_191 : memref<416x32xf32, #tpu.memory_space<hbm>>)
        tpu.yield
      }) : () -> ()
      %add3A_40 = arith.constant 4 : i32
      %add3A_41 = arith.addi %add3A_31, %add3A_40 : i32
      %lt3A = arith.constant 40 : i32
      %lt3A_42 = arith.cmpi slt, %add3A_41, %lt3A : i32
      %convert_element_type3A = arith.extui %lt3A_42 : i1 to i32
      %cond3A = arith.constant 0 : i32
      %cond3A_43 = arith.cmpi ne, %convert_element_type3A, %cond3A : i32
      scf.if %cond3A_43 {
        %mul3A_184 = arith.constant 416 : i32
        %mul3A_185 = arith.muli %add3A_41, %mul3A_184 : i32
        %dma_start3A_186 = tpu.memref_slice %arg5[%mul3A_185] : memref<16640xi32, #tpu.memory_space<vmem>> -> memref<416xi32, #tpu.memory_space<vmem>>
        %dma_start3A_187 = arith.constant 0 : i32
        %dma_start3A_188 = arith.constant 0 : i32
        %dma_start3A_189 = tpu.memref_slice %arg3[%dma_start3A_187, %dma_start3A_188] : memref<2600000x32xf32, #tpu.memory_space<hbm>> -> memref<2600000x32xf32, #tpu.memory_space<hbm>>
        tpu.enqueue_indirect_dma source(%dma_start3A_189 : memref<2600000x32xf32, #tpu.memory_space<hbm>>) target(%arg10 : memref<416x32xf32, #tpu.memory_space<vmem>>) offsets(%dma_start3A_186 : memref<416xi32, #tpu.memory_space<vmem>>) semaphore(%arg18 : memref<!tpu.dma_semaphore, #tpu.memory_space<semaphore_mem>>)
      } else {
      }
      %mul3A_44 = arith.constant 8 : i32
      %mul3A_45 = arith.muli %scan3A_27, %mul3A_44 : i32
      %add3A_46 = arith.constant 1 : i32
      %add3A_47 = arith.addi %mul3A_45, %add3A_46 : i32
      %mul3A_48 = arith.constant 416 : i32
      %mul3A_49 = arith.muli %add3A_47, %mul3A_48 : i32
      %dma_wait3A_50 = tpu.memref_slice %arg5[%mul3A_49] : memref<16640xi32, #tpu.memory_space<vmem>> -> memref<416xi32, #tpu.memory_space<vmem>>
      %dma_wait3A_51 = arith.constant 0 : i32
      %dma_wait3A_52 = arith.constant 0 : i32
      %dma_wait3A_53 = tpu.memref_slice %arg3[%dma_wait3A_51, %dma_wait3A_52] : memref<2600000x32xf32, #tpu.memory_space<hbm>> -> memref<2600000x32xf32, #tpu.memory_space<hbm>>
      tpu.wait_indirect_dma semaphore(%arg15 : memref<!tpu.dma_semaphore, #tpu.memory_space<semaphore_mem>>) src(%dma_wait3A_53 : memref<2600000x32xf32, #tpu.memory_space<hbm>>) dst(%arg7 : memref<416x32xf32, #tpu.memory_space<vmem>>)
      %mul3A_54 = arith.constant 416 : i32
      %mul3A_55 = arith.muli %add3A_47, %mul3A_54 : i32
      %add3A_56 = arith.addi %mul3A_2, %mul3A_55 : i32
      "tpu.region"() ({
        %run_scoped3A = tpu.sem_alloc : memref<!tpu.dma_semaphore, #tpu.memory_space<semaphore_mem>>
        %dma_start3A_184 = arith.constant 0 : i32
        %dma_start3A_185 = tpu.memref_slice %arg4[%add3A_56, %dma_start3A_184] : memref<532480x32xf32, #tpu.memory_space<hbm>> -> memref<416x32xf32, #tpu.memory_space<hbm>>
        %dma_start3A_186 = arith.constant 0 : i32
        %dma_start3A_187 = tpu.memref_slice %arg4[%add3A_56, %dma_start3A_186] : memref<532480x32xf32, #tpu.memory_space<hbm>> -> memref<416x32xf32, #tpu.memory_space<hbm>>
        tpu.enqueue_dma source(%arg7 : memref<416x32xf32, #tpu.memory_space<vmem>>) target(%dma_start3A_187 : memref<416x32xf32, #tpu.memory_space<hbm>>) target_semaphore(%run_scoped3A : memref<!tpu.dma_semaphore, #tpu.memory_space<semaphore_mem>>)
        %dma_wait3A_188 = arith.constant 0 : i32
        %dma_wait3A_189 = tpu.memref_slice %arg4[%add3A_56, %dma_wait3A_188] : memref<532480x32xf32, #tpu.memory_space<hbm>> -> memref<416x32xf32, #tpu.memory_space<hbm>>
        %dma_wait3A_190 = arith.constant 0 : i32
        %dma_wait3A_191 = tpu.memref_slice %arg4[%add3A_56, %dma_wait3A_190] : memref<532480x32xf32, #tpu.memory_space<hbm>> -> memref<416x32xf32, #tpu.memory_space<hbm>>
        tpu.wait_dma2 semaphore(%run_scoped3A : memref<!tpu.dma_semaphore, #tpu.memory_space<semaphore_mem>>) src(%arg7 : memref<416x32xf32, #tpu.memory_space<vmem>>) dst(%dma_wait3A_191 : memref<416x32xf32, #tpu.memory_space<hbm>>)
        tpu.yield
      }) : () -> ()
      %add3A_57 = arith.constant 4 : i32
      %add3A_58 = arith.addi %add3A_47, %add3A_57 : i32
      %lt3A_59 = arith.constant 40 : i32
      %lt3A_60 = arith.cmpi slt, %add3A_58, %lt3A_59 : i32
      %convert_element_type3A_61 = arith.extui %lt3A_60 : i1 to i32
      %cond3A_62 = arith.constant 0 : i32
      %cond3A_63 = arith.cmpi ne, %convert_element_type3A_61, %cond3A_62 : i32
      scf.if %cond3A_63 {
        %mul3A_184 = arith.constant 416 : i32
        %mul3A_185 = arith.muli %add3A_58, %mul3A_184 : i32
        %dma_start3A_186 = tpu.memref_slice %arg5[%mul3A_185] : memref<16640xi32, #tpu.memory_space<vmem>> -> memref<416xi32, #tpu.memory_space<vmem>>
        %dma_start3A_187 = arith.constant 0 : i32
        %dma_start3A_188 = arith.constant 0 : i32
        %dma_start3A_189 = tpu.memref_slice %arg3[%dma_start3A_187, %dma_start3A_188] : memref<2600000x32xf32, #tpu.memory_space<hbm>> -> memref<2600000x32xf32, #tpu.memory_space<hbm>>
        tpu.enqueue_indirect_dma source(%dma_start3A_189 : memref<2600000x32xf32, #tpu.memory_space<hbm>>) target(%arg11 : memref<416x32xf32, #tpu.memory_space<vmem>>) offsets(%dma_start3A_186 : memref<416xi32, #tpu.memory_space<vmem>>) semaphore(%arg19 : memref<!tpu.dma_semaphore, #tpu.memory_space<semaphore_mem>>)
      } else {
      }
      %mul3A_64 = arith.constant 8 : i32
      %mul3A_65 = arith.muli %scan3A_27, %mul3A_64 : i32
      %add3A_66 = arith.constant 2 : i32
      %add3A_67 = arith.addi %mul3A_65, %add3A_66 : i32
      %mul3A_68 = arith.constant 416 : i32
      %mul3A_69 = arith.muli %add3A_67, %mul3A_68 : i32
      %dma_wait3A_70 = tpu.memref_slice %arg5[%mul3A_69] : memref<16640xi32, #tpu.memory_space<vmem>> -> memref<416xi32, #tpu.memory_space<vmem>>
      %dma_wait3A_71 = arith.constant 0 : i32
      %dma_wait3A_72 = arith.constant 0 : i32
      %dma_wait3A_73 = tpu.memref_slice %arg3[%dma_wait3A_71, %dma_wait3A_72] : memref<2600000x32xf32, #tpu.memory_space<hbm>> -> memref<2600000x32xf32, #tpu.memory_space<hbm>>
      tpu.wait_indirect_dma semaphore(%arg16 : memref<!tpu.dma_semaphore, #tpu.memory_space<semaphore_mem>>) src(%dma_wait3A_73 : memref<2600000x32xf32, #tpu.memory_space<hbm>>) dst(%arg8 : memref<416x32xf32, #tpu.memory_space<vmem>>)
      %mul3A_74 = arith.constant 416 : i32
      %mul3A_75 = arith.muli %add3A_67, %mul3A_74 : i32
      %add3A_76 = arith.addi %mul3A_2, %mul3A_75 : i32
      "tpu.region"() ({
        %run_scoped3A = tpu.sem_alloc : memref<!tpu.dma_semaphore, #tpu.memory_space<semaphore_mem>>
        %dma_start3A_184 = arith.constant 0 : i32
        %dma_start3A_185 = tpu.memref_slice %arg4[%add3A_76, %dma_start3A_184] : memref<532480x32xf32, #tpu.memory_space<hbm>> -> memref<416x32xf32, #tpu.memory_space<hbm>>
        %dma_start3A_186 = arith.constant 0 : i32
        %dma_start3A_187 = tpu.memref_slice %arg4[%add3A_76, %dma_start3A_186] : memref<532480x32xf32, #tpu.memory_space<hbm>> -> memref<416x32xf32, #tpu.memory_space<hbm>>
        tpu.enqueue_dma source(%arg8 : memref<416x32xf32, #tpu.memory_space<vmem>>) target(%dma_start3A_187 : memref<416x32xf32, #tpu.memory_space<hbm>>) target_semaphore(%run_scoped3A : memref<!tpu.dma_semaphore, #tpu.memory_space<semaphore_mem>>)
        %dma_wait3A_188 = arith.constant 0 : i32
        %dma_wait3A_189 = tpu.memref_slice %arg4[%add3A_76, %dma_wait3A_188] : memref<532480x32xf32, #tpu.memory_space<hbm>> -> memref<416x32xf32, #tpu.memory_space<hbm>>
        %dma_wait3A_190 = arith.constant 0 : i32
        %dma_wait3A_191 = tpu.memref_slice %arg4[%add3A_76, %dma_wait3A_190] : memref<532480x32xf32, #tpu.memory_space<hbm>> -> memref<416x32xf32, #tpu.memory_space<hbm>>
        tpu.wait_dma2 semaphore(%run_scoped3A : memref<!tpu.dma_semaphore, #tpu.memory_space<semaphore_mem>>) src(%arg8 : memref<416x32xf32, #tpu.memory_space<vmem>>) dst(%dma_wait3A_191 : memref<416x32xf32, #tpu.memory_space<hbm>>)
        tpu.yield
      }) : () -> ()
      %add3A_77 = arith.constant 4 : i32
      %add3A_78 = arith.addi %add3A_67, %add3A_77 : i32
      %lt3A_79 = arith.constant 40 : i32
      %lt3A_80 = arith.cmpi slt, %add3A_78, %lt3A_79 : i32
      %convert_element_type3A_81 = arith.extui %lt3A_80 : i1 to i32
      %cond3A_82 = arith.constant 0 : i32
      %cond3A_83 = arith.cmpi ne, %convert_element_type3A_81, %cond3A_82 : i32
      scf.if %cond3A_83 {
        %mul3A_184 = arith.constant 416 : i32
        %mul3A_185 = arith.muli %add3A_78, %mul3A_184 : i32
        %dma_start3A_186 = tpu.memref_slice %arg5[%mul3A_185] : memref<16640xi32, #tpu.memory_space<vmem>> -> memref<416xi32, #tpu.memory_space<vmem>>
        %dma_start3A_187 = arith.constant 0 : i32
        %dma_start3A_188 = arith.constant 0 : i32
        %dma_start3A_189 = tpu.memref_slice %arg3[%dma_start3A_187, %dma_start3A_188] : memref<2600000x32xf32, #tpu.memory_space<hbm>> -> memref<2600000x32xf32, #tpu.memory_space<hbm>>
        tpu.enqueue_indirect_dma source(%dma_start3A_189 : memref<2600000x32xf32, #tpu.memory_space<hbm>>) target(%arg12 : memref<416x32xf32, #tpu.memory_space<vmem>>) offsets(%dma_start3A_186 : memref<416xi32, #tpu.memory_space<vmem>>) semaphore(%arg20 : memref<!tpu.dma_semaphore, #tpu.memory_space<semaphore_mem>>)
      } else {
      }
      %mul3A_84 = arith.constant 8 : i32
      %mul3A_85 = arith.muli %scan3A_27, %mul3A_84 : i32
      %add3A_86 = arith.constant 3 : i32
      %add3A_87 = arith.addi %mul3A_85, %add3A_86 : i32
      %mul3A_88 = arith.constant 416 : i32
      %mul3A_89 = arith.muli %add3A_87, %mul3A_88 : i32
      %dma_wait3A_90 = tpu.memref_slice %arg5[%mul3A_89] : memref<16640xi32, #tpu.memory_space<vmem>> -> memref<416xi32, #tpu.memory_space<vmem>>
      %dma_wait3A_91 = arith.constant 0 : i32
      %dma_wait3A_92 = arith.constant 0 : i32
      %dma_wait3A_93 = tpu.memref_slice %arg3[%dma_wait3A_91, %dma_wait3A_92] : memref<2600000x32xf32, #tpu.memory_space<hbm>> -> memref<2600000x32xf32, #tpu.memory_space<hbm>>
      tpu.wait_indirect_dma semaphore(%arg17 : memref<!tpu.dma_semaphore, #tpu.memory_space<semaphore_mem>>) src(%dma_wait3A_93 : memref<2600000x32xf32, #tpu.memory_space<hbm>>) dst(%arg9 : memref<416x32xf32, #tpu.memory_space<vmem>>)
      %mul3A_94 = arith.constant 416 : i32
      %mul3A_95 = arith.muli %add3A_87, %mul3A_94 : i32
      %add3A_96 = arith.addi %mul3A_2, %mul3A_95 : i32
      "tpu.region"() ({
        %run_scoped3A = tpu.sem_alloc : memref<!tpu.dma_semaphore, #tpu.memory_space<semaphore_mem>>
        %dma_start3A_184 = arith.constant 0 : i32
        %dma_start3A_185 = tpu.memref_slice %arg4[%add3A_96, %dma_start3A_184] : memref<532480x32xf32, #tpu.memory_space<hbm>> -> memref<416x32xf32, #tpu.memory_space<hbm>>
        %dma_start3A_186 = arith.constant 0 : i32
        %dma_start3A_187 = tpu.memref_slice %arg4[%add3A_96, %dma_start3A_186] : memref<532480x32xf32, #tpu.memory_space<hbm>> -> memref<416x32xf32, #tpu.memory_space<hbm>>
        tpu.enqueue_dma source(%arg9 : memref<416x32xf32, #tpu.memory_space<vmem>>) target(%dma_start3A_187 : memref<416x32xf32, #tpu.memory_space<hbm>>) target_semaphore(%run_scoped3A : memref<!tpu.dma_semaphore, #tpu.memory_space<semaphore_mem>>)
        %dma_wait3A_188 = arith.constant 0 : i32
        %dma_wait3A_189 = tpu.memref_slice %arg4[%add3A_96, %dma_wait3A_188] : memref<532480x32xf32, #tpu.memory_space<hbm>> -> memref<416x32xf32, #tpu.memory_space<hbm>>
        %dma_wait3A_190 = arith.constant 0 : i32
        %dma_wait3A_191 = tpu.memref_slice %arg4[%add3A_96, %dma_wait3A_190] : memref<532480x32xf32, #tpu.memory_space<hbm>> -> memref<416x32xf32, #tpu.memory_space<hbm>>
        tpu.wait_dma2 semaphore(%run_scoped3A : memref<!tpu.dma_semaphore, #tpu.memory_space<semaphore_mem>>) src(%arg9 : memref<416x32xf32, #tpu.memory_space<vmem>>) dst(%dma_wait3A_191 : memref<416x32xf32, #tpu.memory_space<hbm>>)
        tpu.yield
      }) : () -> ()
      %add3A_97 = arith.constant 4 : i32
      %add3A_98 = arith.addi %add3A_87, %add3A_97 : i32
      %lt3A_99 = arith.constant 40 : i32
      %lt3A_100 = arith.cmpi slt, %add3A_98, %lt3A_99 : i32
      %convert_element_type3A_101 = arith.extui %lt3A_100 : i1 to i32
      %cond3A_102 = arith.constant 0 : i32
      %cond3A_103 = arith.cmpi ne, %convert_element_type3A_101, %cond3A_102 : i32
      scf.if %cond3A_103 {
        %mul3A_184 = arith.constant 416 : i32
        %mul3A_185 = arith.muli %add3A_98, %mul3A_184 : i32
        %dma_start3A_186 = tpu.memref_slice %arg5[%mul3A_185] : memref<16640xi32, #tpu.memory_space<vmem>> -> memref<416xi32, #tpu.memory_space<vmem>>
        %dma_start3A_187 = arith.constant 0 : i32
        %dma_start3A_188 = arith.constant 0 : i32
        %dma_start3A_189 = tpu.memref_slice %arg3[%dma_start3A_187, %dma_start3A_188] : memref<2600000x32xf32, #tpu.memory_space<hbm>> -> memref<2600000x32xf32, #tpu.memory_space<hbm>>
        tpu.enqueue_indirect_dma source(%dma_start3A_189 : memref<2600000x32xf32, #tpu.memory_space<hbm>>) target(%arg13 : memref<416x32xf32, #tpu.memory_space<vmem>>) offsets(%dma_start3A_186 : memref<416xi32, #tpu.memory_space<vmem>>) semaphore(%arg21 : memref<!tpu.dma_semaphore, #tpu.memory_space<semaphore_mem>>)
      } else {
      }
      %mul3A_104 = arith.constant 8 : i32
      %mul3A_105 = arith.muli %scan3A_27, %mul3A_104 : i32
      %add3A_106 = arith.constant 4 : i32
      %add3A_107 = arith.addi %mul3A_105, %add3A_106 : i32
      %mul3A_108 = arith.constant 416 : i32
      %mul3A_109 = arith.muli %add3A_107, %mul3A_108 : i32
      %dma_wait3A_110 = tpu.memref_slice %arg5[%mul3A_109] : memref<16640xi32, #tpu.memory_space<vmem>> -> memref<416xi32, #tpu.memory_space<vmem>>
      %dma_wait3A_111 = arith.constant 0 : i32
      %dma_wait3A_112 = arith.constant 0 : i32
      %dma_wait3A_113 = tpu.memref_slice %arg3[%dma_wait3A_111, %dma_wait3A_112] : memref<2600000x32xf32, #tpu.memory_space<hbm>> -> memref<2600000x32xf32, #tpu.memory_space<hbm>>
      tpu.wait_indirect_dma semaphore(%arg18 : memref<!tpu.dma_semaphore, #tpu.memory_space<semaphore_mem>>) src(%dma_wait3A_113 : memref<2600000x32xf32, #tpu.memory_space<hbm>>) dst(%arg10 : memref<416x32xf32, #tpu.memory_space<vmem>>)
      %mul3A_114 = arith.constant 416 : i32
      %mul3A_115 = arith.muli %add3A_107, %mul3A_114 : i32
      %add3A_116 = arith.addi %mul3A_2, %mul3A_115 : i32
      "tpu.region"() ({
        %run_scoped3A = tpu.sem_alloc : memref<!tpu.dma_semaphore, #tpu.memory_space<semaphore_mem>>
        %dma_start3A_184 = arith.constant 0 : i32
        %dma_start3A_185 = tpu.memref_slice %arg4[%add3A_116, %dma_start3A_184] : memref<532480x32xf32, #tpu.memory_space<hbm>> -> memref<416x32xf32, #tpu.memory_space<hbm>>
        %dma_start3A_186 = arith.constant 0 : i32
        %dma_start3A_187 = tpu.memref_slice %arg4[%add3A_116, %dma_start3A_186] : memref<532480x32xf32, #tpu.memory_space<hbm>> -> memref<416x32xf32, #tpu.memory_space<hbm>>
        tpu.enqueue_dma source(%arg10 : memref<416x32xf32, #tpu.memory_space<vmem>>) target(%dma_start3A_187 : memref<416x32xf32, #tpu.memory_space<hbm>>) target_semaphore(%run_scoped3A : memref<!tpu.dma_semaphore, #tpu.memory_space<semaphore_mem>>)
        %dma_wait3A_188 = arith.constant 0 : i32
        %dma_wait3A_189 = tpu.memref_slice %arg4[%add3A_116, %dma_wait3A_188] : memref<532480x32xf32, #tpu.memory_space<hbm>> -> memref<416x32xf32, #tpu.memory_space<hbm>>
        %dma_wait3A_190 = arith.constant 0 : i32
        %dma_wait3A_191 = tpu.memref_slice %arg4[%add3A_116, %dma_wait3A_190] : memref<532480x32xf32, #tpu.memory_space<hbm>> -> memref<416x32xf32, #tpu.memory_space<hbm>>
        tpu.wait_dma2 semaphore(%run_scoped3A : memref<!tpu.dma_semaphore, #tpu.memory_space<semaphore_mem>>) src(%arg10 : memref<416x32xf32, #tpu.memory_space<vmem>>) dst(%dma_wait3A_191 : memref<416x32xf32, #tpu.memory_space<hbm>>)
        tpu.yield
      }) : () -> ()
      %add3A_117 = arith.constant 4 : i32
      %add3A_118 = arith.addi %add3A_107, %add3A_117 : i32
      %lt3A_119 = arith.constant 40 : i32
      %lt3A_120 = arith.cmpi slt, %add3A_118, %lt3A_119 : i32
      %convert_element_type3A_121 = arith.extui %lt3A_120 : i1 to i32
      %cond3A_122 = arith.constant 0 : i32
      %cond3A_123 = arith.cmpi ne, %convert_element_type3A_121, %cond3A_122 : i32
      scf.if %cond3A_123 {
        %mul3A_184 = arith.constant 416 : i32
        %mul3A_185 = arith.muli %add3A_118, %mul3A_184 : i32
        %dma_start3A_186 = tpu.memref_slice %arg5[%mul3A_185] : memref<16640xi32, #tpu.memory_space<vmem>> -> memref<416xi32, #tpu.memory_space<vmem>>
        %dma_start3A_187 = arith.constant 0 : i32
        %dma_start3A_188 = arith.constant 0 : i32
        %dma_start3A_189 = tpu.memref_slice %arg3[%dma_start3A_187, %dma_start3A_188] : memref<2600000x32xf32, #tpu.memory_space<hbm>> -> memref<2600000x32xf32, #tpu.memory_space<hbm>>
        tpu.enqueue_indirect_dma source(%dma_start3A_189 : memref<2600000x32xf32, #tpu.memory_space<hbm>>) target(%arg6 : memref<416x32xf32, #tpu.memory_space<vmem>>) offsets(%dma_start3A_186 : memref<416xi32, #tpu.memory_space<vmem>>) semaphore(%arg14 : memref<!tpu.dma_semaphore, #tpu.memory_space<semaphore_mem>>)
      } else {
      }
      %mul3A_124 = arith.constant 8 : i32
      %mul3A_125 = arith.muli %scan3A_27, %mul3A_124 : i32
      %add3A_126 = arith.constant 5 : i32
      %add3A_127 = arith.addi %mul3A_125, %add3A_126 : i32
      %mul3A_128 = arith.constant 416 : i32
      %mul3A_129 = arith.muli %add3A_127, %mul3A_128 : i32
      %dma_wait3A_130 = tpu.memref_slice %arg5[%mul3A_129] : memref<16640xi32, #tpu.memory_space<vmem>> -> memref<416xi32, #tpu.memory_space<vmem>>
      %dma_wait3A_131 = arith.constant 0 : i32
      %dma_wait3A_132 = arith.constant 0 : i32
      %dma_wait3A_133 = tpu.memref_slice %arg3[%dma_wait3A_131, %dma_wait3A_132] : memref<2600000x32xf32, #tpu.memory_space<hbm>> -> memref<2600000x32xf32, #tpu.memory_space<hbm>>
      tpu.wait_indirect_dma semaphore(%arg19 : memref<!tpu.dma_semaphore, #tpu.memory_space<semaphore_mem>>) src(%dma_wait3A_133 : memref<2600000x32xf32, #tpu.memory_space<hbm>>) dst(%arg11 : memref<416x32xf32, #tpu.memory_space<vmem>>)
      %mul3A_134 = arith.constant 416 : i32
      %mul3A_135 = arith.muli %add3A_127, %mul3A_134 : i32
      %add3A_136 = arith.addi %mul3A_2, %mul3A_135 : i32
      "tpu.region"() ({
        %run_scoped3A = tpu.sem_alloc : memref<!tpu.dma_semaphore, #tpu.memory_space<semaphore_mem>>
        %dma_start3A_184 = arith.constant 0 : i32
        %dma_start3A_185 = tpu.memref_slice %arg4[%add3A_136, %dma_start3A_184] : memref<532480x32xf32, #tpu.memory_space<hbm>> -> memref<416x32xf32, #tpu.memory_space<hbm>>
        %dma_start3A_186 = arith.constant 0 : i32
        %dma_start3A_187 = tpu.memref_slice %arg4[%add3A_136, %dma_start3A_186] : memref<532480x32xf32, #tpu.memory_space<hbm>> -> memref<416x32xf32, #tpu.memory_space<hbm>>
        tpu.enqueue_dma source(%arg11 : memref<416x32xf32, #tpu.memory_space<vmem>>) target(%dma_start3A_187 : memref<416x32xf32, #tpu.memory_space<hbm>>) target_semaphore(%run_scoped3A : memref<!tpu.dma_semaphore, #tpu.memory_space<semaphore_mem>>)
        %dma_wait3A_188 = arith.constant 0 : i32
        %dma_wait3A_189 = tpu.memref_slice %arg4[%add3A_136, %dma_wait3A_188] : memref<532480x32xf32, #tpu.memory_space<hbm>> -> memref<416x32xf32, #tpu.memory_space<hbm>>
        %dma_wait3A_190 = arith.constant 0 : i32
        %dma_wait3A_191 = tpu.memref_slice %arg4[%add3A_136, %dma_wait3A_190] : memref<532480x32xf32, #tpu.memory_space<hbm>> -> memref<416x32xf32, #tpu.memory_space<hbm>>
        tpu.wait_dma2 semaphore(%run_scoped3A : memref<!tpu.dma_semaphore, #tpu.memory_space<semaphore_mem>>) src(%arg11 : memref<416x32xf32, #tpu.memory_space<vmem>>) dst(%dma_wait3A_191 : memref<416x32xf32, #tpu.memory_space<hbm>>)
        tpu.yield
      }) : () -> ()
      %add3A_137 = arith.constant 4 : i32
      %add3A_138 = arith.addi %add3A_127, %add3A_137 : i32
      %lt3A_139 = arith.constant 40 : i32
      %lt3A_140 = arith.cmpi slt, %add3A_138, %lt3A_139 : i32
      %convert_element_type3A_141 = arith.extui %lt3A_140 : i1 to i32
      %cond3A_142 = arith.constant 0 : i32
      %cond3A_143 = arith.cmpi ne, %convert_element_type3A_141, %cond3A_142 : i32
      scf.if %cond3A_143 {
        %mul3A_184 = arith.constant 416 : i32
        %mul3A_185 = arith.muli %add3A_138, %mul3A_184 : i32
        %dma_start3A_186 = tpu.memref_slice %arg5[%mul3A_185] : memref<16640xi32, #tpu.memory_space<vmem>> -> memref<416xi32, #tpu.memory_space<vmem>>
        %dma_start3A_187 = arith.constant 0 : i32
        %dma_start3A_188 = arith.constant 0 : i32
        %dma_start3A_189 = tpu.memref_slice %arg3[%dma_start3A_187, %dma_start3A_188] : memref<2600000x32xf32, #tpu.memory_space<hbm>> -> memref<2600000x32xf32, #tpu.memory_space<hbm>>
        tpu.enqueue_indirect_dma source(%dma_start3A_189 : memref<2600000x32xf32, #tpu.memory_space<hbm>>) target(%arg7 : memref<416x32xf32, #tpu.memory_space<vmem>>) offsets(%dma_start3A_186 : memref<416xi32, #tpu.memory_space<vmem>>) semaphore(%arg15 : memref<!tpu.dma_semaphore, #tpu.memory_space<semaphore_mem>>)
      } else {
      }
      %mul3A_144 = arith.constant 8 : i32
      %mul3A_145 = arith.muli %scan3A_27, %mul3A_144 : i32
      %add3A_146 = arith.constant 6 : i32
      %add3A_147 = arith.addi %mul3A_145, %add3A_146 : i32
      %mul3A_148 = arith.constant 416 : i32
      %mul3A_149 = arith.muli %add3A_147, %mul3A_148 : i32
      %dma_wait3A_150 = tpu.memref_slice %arg5[%mul3A_149] : memref<16640xi32, #tpu.memory_space<vmem>> -> memref<416xi32, #tpu.memory_space<vmem>>
      %dma_wait3A_151 = arith.constant 0 : i32
      %dma_wait3A_152 = arith.constant 0 : i32
      %dma_wait3A_153 = tpu.memref_slice %arg3[%dma_wait3A_151, %dma_wait3A_152] : memref<2600000x32xf32, #tpu.memory_space<hbm>> -> memref<2600000x32xf32, #tpu.memory_space<hbm>>
      tpu.wait_indirect_dma semaphore(%arg20 : memref<!tpu.dma_semaphore, #tpu.memory_space<semaphore_mem>>) src(%dma_wait3A_153 : memref<2600000x32xf32, #tpu.memory_space<hbm>>) dst(%arg12 : memref<416x32xf32, #tpu.memory_space<vmem>>)
      %mul3A_154 = arith.constant 416 : i32
      %mul3A_155 = arith.muli %add3A_147, %mul3A_154 : i32
      %add3A_156 = arith.addi %mul3A_2, %mul3A_155 : i32
      "tpu.region"() ({
        %run_scoped3A = tpu.sem_alloc : memref<!tpu.dma_semaphore, #tpu.memory_space<semaphore_mem>>
        %dma_start3A_184 = arith.constant 0 : i32
        %dma_start3A_185 = tpu.memref_slice %arg4[%add3A_156, %dma_start3A_184] : memref<532480x32xf32, #tpu.memory_space<hbm>> -> memref<416x32xf32, #tpu.memory_space<hbm>>
        %dma_start3A_186 = arith.constant 0 : i32
        %dma_start3A_187 = tpu.memref_slice %arg4[%add3A_156, %dma_start3A_186] : memref<532480x32xf32, #tpu.memory_space<hbm>> -> memref<416x32xf32, #tpu.memory_space<hbm>>
        tpu.enqueue_dma source(%arg12 : memref<416x32xf32, #tpu.memory_space<vmem>>) target(%dma_start3A_187 : memref<416x32xf32, #tpu.memory_space<hbm>>) target_semaphore(%run_scoped3A : memref<!tpu.dma_semaphore, #tpu.memory_space<semaphore_mem>>)
        %dma_wait3A_188 = arith.constant 0 : i32
        %dma_wait3A_189 = tpu.memref_slice %arg4[%add3A_156, %dma_wait3A_188] : memref<532480x32xf32, #tpu.memory_space<hbm>> -> memref<416x32xf32, #tpu.memory_space<hbm>>
        %dma_wait3A_190 = arith.constant 0 : i32
        %dma_wait3A_191 = tpu.memref_slice %arg4[%add3A_156, %dma_wait3A_190] : memref<532480x32xf32, #tpu.memory_space<hbm>> -> memref<416x32xf32, #tpu.memory_space<hbm>>
        tpu.wait_dma2 semaphore(%run_scoped3A : memref<!tpu.dma_semaphore, #tpu.memory_space<semaphore_mem>>) src(%arg12 : memref<416x32xf32, #tpu.memory_space<vmem>>) dst(%dma_wait3A_191 : memref<416x32xf32, #tpu.memory_space<hbm>>)
        tpu.yield
      }) : () -> ()
      %add3A_157 = arith.constant 4 : i32
      %add3A_158 = arith.addi %add3A_147, %add3A_157 : i32
      %lt3A_159 = arith.constant 40 : i32
      %lt3A_160 = arith.cmpi slt, %add3A_158, %lt3A_159 : i32
      %convert_element_type3A_161 = arith.extui %lt3A_160 : i1 to i32
      %cond3A_162 = arith.constant 0 : i32
      %cond3A_163 = arith.cmpi ne, %convert_element_type3A_161, %cond3A_162 : i32
      scf.if %cond3A_163 {
        %mul3A_184 = arith.constant 416 : i32
        %mul3A_185 = arith.muli %add3A_158, %mul3A_184 : i32
        %dma_start3A_186 = tpu.memref_slice %arg5[%mul3A_185] : memref<16640xi32, #tpu.memory_space<vmem>> -> memref<416xi32, #tpu.memory_space<vmem>>
        %dma_start3A_187 = arith.constant 0 : i32
        %dma_start3A_188 = arith.constant 0 : i32
        %dma_start3A_189 = tpu.memref_slice %arg3[%dma_start3A_187, %dma_start3A_188] : memref<2600000x32xf32, #tpu.memory_space<hbm>> -> memref<2600000x32xf32, #tpu.memory_space<hbm>>
        tpu.enqueue_indirect_dma source(%dma_start3A_189 : memref<2600000x32xf32, #tpu.memory_space<hbm>>) target(%arg8 : memref<416x32xf32, #tpu.memory_space<vmem>>) offsets(%dma_start3A_186 : memref<416xi32, #tpu.memory_space<vmem>>) semaphore(%arg16 : memref<!tpu.dma_semaphore, #tpu.memory_space<semaphore_mem>>)
      } else {
      }
      %mul3A_164 = arith.constant 8 : i32
      %mul3A_165 = arith.muli %scan3A_27, %mul3A_164 : i32
      %add3A_166 = arith.constant 7 : i32
      %add3A_167 = arith.addi %mul3A_165, %add3A_166 : i32
      %mul3A_168 = arith.constant 416 : i32
      %mul3A_169 = arith.muli %add3A_167, %mul3A_168 : i32
      %dma_wait3A_170 = tpu.memref_slice %arg5[%mul3A_169] : memref<16640xi32, #tpu.memory_space<vmem>> -> memref<416xi32, #tpu.memory_space<vmem>>
      %dma_wait3A_171 = arith.constant 0 : i32
      %dma_wait3A_172 = arith.constant 0 : i32
      %dma_wait3A_173 = tpu.memref_slice %arg3[%dma_wait3A_171, %dma_wait3A_172] : memref<2600000x32xf32, #tpu.memory_space<hbm>> -> memref<2600000x32xf32, #tpu.memory_space<hbm>>
      tpu.wait_indirect_dma semaphore(%arg21 : memref<!tpu.dma_semaphore, #tpu.memory_space<semaphore_mem>>) src(%dma_wait3A_173 : memref<2600000x32xf32, #tpu.memory_space<hbm>>) dst(%arg13 : memref<416x32xf32, #tpu.memory_space<vmem>>)
      %mul3A_174 = arith.constant 416 : i32
      %mul3A_175 = arith.muli %add3A_167, %mul3A_174 : i32
      %add3A_176 = arith.addi %mul3A_2, %mul3A_175 : i32
      "tpu.region"() ({
        %run_scoped3A = tpu.sem_alloc : memref<!tpu.dma_semaphore, #tpu.memory_space<semaphore_mem>>
        %dma_start3A_184 = arith.constant 0 : i32
        %dma_start3A_185 = tpu.memref_slice %arg4[%add3A_176, %dma_start3A_184] : memref<532480x32xf32, #tpu.memory_space<hbm>> -> memref<416x32xf32, #tpu.memory_space<hbm>>
        %dma_start3A_186 = arith.constant 0 : i32
        %dma_start3A_187 = tpu.memref_slice %arg4[%add3A_176, %dma_start3A_186] : memref<532480x32xf32, #tpu.memory_space<hbm>> -> memref<416x32xf32, #tpu.memory_space<hbm>>
        tpu.enqueue_dma source(%arg13 : memref<416x32xf32, #tpu.memory_space<vmem>>) target(%dma_start3A_187 : memref<416x32xf32, #tpu.memory_space<hbm>>) target_semaphore(%run_scoped3A : memref<!tpu.dma_semaphore, #tpu.memory_space<semaphore_mem>>)
        %dma_wait3A_188 = arith.constant 0 : i32
        %dma_wait3A_189 = tpu.memref_slice %arg4[%add3A_176, %dma_wait3A_188] : memref<532480x32xf32, #tpu.memory_space<hbm>> -> memref<416x32xf32, #tpu.memory_space<hbm>>
        %dma_wait3A_190 = arith.constant 0 : i32
        %dma_wait3A_191 = tpu.memref_slice %arg4[%add3A_176, %dma_wait3A_190] : memref<532480x32xf32, #tpu.memory_space<hbm>> -> memref<416x32xf32, #tpu.memory_space<hbm>>
        tpu.wait_dma2 semaphore(%run_scoped3A : memref<!tpu.dma_semaphore, #tpu.memory_space<semaphore_mem>>) src(%arg13 : memref<416x32xf32, #tpu.memory_space<vmem>>) dst(%dma_wait3A_191 : memref<416x32xf32, #tpu.memory_space<hbm>>)
        tpu.yield
      }) : () -> ()
      %add3A_177 = arith.constant 4 : i32
      %add3A_178 = arith.addi %add3A_167, %add3A_177 : i32
      %lt3A_179 = arith.constant 40 : i32
      %lt3A_180 = arith.cmpi slt, %add3A_178, %lt3A_179 : i32
      %convert_element_type3A_181 = arith.extui %lt3A_180 : i1 to i32
      %cond3A_182 = arith.constant 0 : i32
      %cond3A_183 = arith.cmpi ne, %convert_element_type3A_181, %cond3A_182 : i32
      scf.if %cond3A_183 {
        %mul3A_184 = arith.constant 416 : i32
        %mul3A_185 = arith.muli %add3A_178, %mul3A_184 : i32
        %dma_start3A_186 = tpu.memref_slice %arg5[%mul3A_185] : memref<16640xi32, #tpu.memory_space<vmem>> -> memref<416xi32, #tpu.memory_space<vmem>>
        %dma_start3A_187 = arith.constant 0 : i32
        %dma_start3A_188 = arith.constant 0 : i32
        %dma_start3A_189 = tpu.memref_slice %arg3[%dma_start3A_187, %dma_start3A_188] : memref<2600000x32xf32, #tpu.memory_space<hbm>> -> memref<2600000x32xf32, #tpu.memory_space<hbm>>
        tpu.enqueue_indirect_dma source(%dma_start3A_189 : memref<2600000x32xf32, #tpu.memory_space<hbm>>) target(%arg9 : memref<416x32xf32, #tpu.memory_space<vmem>>) offsets(%dma_start3A_186 : memref<416xi32, #tpu.memory_space<vmem>>) semaphore(%arg17 : memref<!tpu.dma_semaphore, #tpu.memory_space<semaphore_mem>>)
      } else {
      }
    }
    %scan3A_26 = arith.constant 5 : i32
    return
  }
}

</mosaic_0001>

<sc_bundles>
// kernel: kernel.3.cloned.1.call-start
scs
__scs_entry_jumppad:
0x0: {  	(pc) =	sbr.rel $0x88, $3  }
0x1: {  	(tag) =	ssettag $0x0;
	lr =	simm.s32 $0x1  }
0x2: {  	[smem:$0x3F9F] =	sst lr;
	_ =	strace $0xD0000000  }
0x3: {  	_ = 	snop  }
0x4: {  	_ = 	snop  }
0x5: {  	_ = 	snop  }
0x6: {  	_ = 	snop  }
0x7: {  	_ = 	snop  }
__scs_overlays_trampoline_lowered:
0x8: {  	[smem:$0x3FAE] =	sst s0  }
0x9: {  	[smem:$0x3FAF] =	sst s1  }
0xa: {  	[smem:$0x3FB0] =	sst s2  }
0xb: {  	[smem:$0x3FB1] =	sst s3  }
0xc: {  	[smem:$0x3FB2] =	sst s4  }
0xd: {  	[smem:$0x3FB3] =	sst s5  }
0xe: {  	[smem:$0x3FB4] =	sst s6  }
0xf: {  	[smem:$0x3FB5] =	sst s7  }
0x10: {  	[smem:$0x3FB6] =	sst s8  }
0x11: {  	[smem:$0x3FB7] =	sst s9;
	s0 =	simm.s32 @!p0 $0x0  }
0x12: {  	s1 =	sld [smem:$0x3F9D];
	s0 =	simm.s32 @p0 $0x1  }
0x13: {  	[smem:$0x3FB8] =	sst s0;
	s0 =	simm.s32 @!p1 $0x0  }
0x14: {  	s2 =	sld [smem:$0x3F9C];
	s0 =	simm.s32 @p1 $0x1  }
0x15: {  	[smem:$0x3FB9] =	sst s0;
	s0 =	simm.s32 @!p2 $0x0  }
0x16: {  	s3 =	sld [smem:$0x3FDB];
	s0 =	simm.s32 @p2 $0x1  }
0x17: {  	s4 =	simm.s32 $0x1BF5;
	[smem:$0x3FBB] =	sst s0  }
0x18: {  	s0 =	sld [smem:$0x3F9E];
	_ =	swait.ge [sflag:s4], $0x0  }
0x19: {  	s7 =	sld [smem:$0x3F9F]  }
0x1a: {  	s8 =	sadd.s32 $0xFFFFE003, lr  }
0x1b: {  	s9 =	sadd.s32 $0xFFFFFEF7, lr;
	s5 =	simm.s32 $0xFFFFFFFF;
	p2 =	slt.u32 s8, $0xFFFFF086  }
0x1c: {  	p1 =	slt.u32 s9, $0xF7A;
	s5 =	simm.s32 @!p2 $0x0  }
0x1d: {  	s5 =	simm.s32 @p1 $0x1;
	p0 =	seq.s32 s7, s2  }
0x1e: {  	s7 =	smul.u32 @!p0 $0xF7A, s2;
	p2 =	seq.s32 @!p0 s5, $0x0  }
0x1f: {  	s9 =	smul.u32 $0xF7A, s1;
	s8 =	simm.s32 @!p0 $0x1BF5;
	p2 =	por !p2, p0  }
0x20: {  	[sflag:s8] =	ssyncset.s32 @!p0 $0xFFFFF086;
	s6 =	sadd.s32 @!p0 s3, s7;
	s7 =	simm.s32 @!p0 $0x108  }
0x21: {  	s3 =	sadd.s32 s3, s9;
	s6 =	sadd.s32 @!p0 $0x88, s6;
	s7 =	simm.s32 @p2 $0x1082  }
0x22: {  	[simem:s7], [sflag:s8] =	dma.local @!p0 [hbm:s6], $0xF7A  }
0x23: {  	s9 =	sor.u32 $0xD0000000, s2;
	s6 =	simm.s32 $0x108;
	_ =	swait.ge @!p0 [sflag:s8], $0x0  }
0x24: {  	s3 =	sadd.s32 $0x88, s3;
	s6 =	simm.s32 @!p1 $0x1082;
	[sflag:s4] =	ssyncset.s32 $0xFFFFF086  }
0x25: {  	[simem:s6], [sflag:s4] =	dma.local [hbm:s3], $0xF7A  }
0x26: {  	[smem:$0x3F9F] =	sst s1;
	(tag) =	ssettag s2;
	_ =	strace s9  }
0x27: {  	s1 =	sld [smem:$0x3FAF]  }
0x28: {  	s2 =	sld [smem:$0x3FB0]  }
0x29: {  	s4 =	sld [smem:$0x3FB2]  }
0x2a: {  	p0 =	seq.s32 s5, $0x0;
	s5 =	sld [smem:$0x3FB3]  }
0x2b: {  	s6 =	sld [smem:$0x3FB4]  }
0x2c: {  	s7 =	sld [smem:$0x3FB5]  }
0x2d: {  	s3 =	simm.s32 $0x108;
	s8 =	sld [smem:$0x3FB6]  }
0x2e: {  	s3 =	simm.s32 @!p0 $0x1082;
	s9 =	sld [smem:$0x3FB7]  }
0x2f: {  	lr =	sadd.s32 s0, s3;
	s0 =	sld [smem:$0x3FAE]  }
0x30: {  	s3 =	sld [smem:$0x3FB1]  }
0x31: {  	[smem:$0x3FBA] =	sst s10  }
0x32: {  	s10 =	sld [smem:$0x3FB8];
	_ =	sdelay $0x3  }
0x33: {  	p0 =	seq.s32 s10, $0x1;
	s10 =	sld [smem:$0x3FBA];
	_ =	sdelay $0x3  }
0x34: {  	[smem:$0x3FBA] =	sst s10  }
0x35: {  	s10 =	sld [smem:$0x3FB9];
	_ =	sdelay $0x3  }
0x36: {  	p1 =	seq.s32 s10, $0x1;
	s10 =	sld [smem:$0x3FBA];
	_ =	sdelay $0x3  }
0x37: {  	[smem:$0x3FBA] =	sst s10  }
0x38: {  	s10 =	sld [smem:$0x3FBB]  }
0x39: {  	_ = 	snop;
	(pc) =	sbr.ind lr, $3  }
0x3a: {  	_ = 	snop  }
0x3b: {  	_ = 	snop  }
0x3c: {  	p2 =	seq.s32 s10, $0x1;
	s10 =	sld [smem:$0x3FBA]  }
0x3d: {  	_ =	shalt  }
0x3e: {  	_ =	shalt  }
0x3f: {  	_ =	shalt  }
0x40: {  	_ =	shalt  }
0x41: {  	_ =	shalt  }
0x42: {  	_ =	shalt  }
0x43: {  	_ =	shalt  }
0x44: {  	_ =	shalt  }
0x45: {  	_ =	shalt  }
0x46: {  	_ =	shalt  }
0x47: {  	_ =	shalt  }
0x48: {  	_ =	shalt  }
0x49: {  	_ =	shalt  }
0x4a: {  	_ =	shalt  }
0x4b: {  	_ =	shalt  }
0x4c: {  	_ =	shalt  }
0x4d: {  	_ =	shalt  }
0x4e: {  	_ =	shalt  }
0x4f: {  	_ =	shalt  }
0x50: {  	_ =	shalt  }
0x51: {  	_ =	shalt  }
0x52: {  	_ =	shalt  }
0x53: {  	_ =	shalt  }
0x54: {  	_ =	shalt  }
0x55: {  	_ =	shalt  }
0x56: {  	_ =	shalt  }
0x57: {  	_ =	shalt  }
0x58: {  	_ =	shalt  }
0x59: {  	_ =	shalt  }
0x5a: {  	_ =	shalt  }
0x5b: {  	_ =	shalt  }
0x5c: {  	_ =	shalt  }
0x5d: {  	_ =	shalt  }
0x5e: {  	_ =	shalt  }
0x5f: {  	_ =	shalt  }
0x60: {  	_ =	shalt  }
0x61: {  	_ =	shalt  }
0x62: {  	_ =	shalt  }
0x63: {  	_ =	shalt  }
0x64: {  	_ =	shalt  }
0x65: {  	_ =	shalt  }
0x66: {  	_ =	shalt  }
0x67: {  	_ =	shalt  }
0x68: {  	_ =	shalt  }
0x69: {  	_ =	shalt  }
0x6a: {  	_ =	shalt  }
0x6b: {  	_ =	shalt  }
0x6c: {  	_ =	shalt  }
0x6d: {  	_ =	shalt  }
0x6e: {  	_ =	shalt  }
0x6f: {  	_ =	shalt  }
0x70: {  	_ =	shalt  }
0x71: {  	_ =	shalt  }
0x72: {  	_ =	shalt  }
0x73: {  	_ =	shalt  }
0x74: {  	_ =	shalt  }
0x75: {  	_ =	shalt  }
0x76: {  	_ =	shalt  }
0x77: {  	_ =	shalt  }
0x78: {  	_ =	shalt  }
0x79: {  	_ =	shalt  }
0x7a: {  	_ =	shalt  }
0x7b: {  	_ =	shalt  }
0x7c: {  	_ =	shalt  }
0x7d: {  	_ =	shalt  }
0x7e: {  	_ =	shalt  }
0x7f: {  	_ =	shalt  }
0x80: {  	_ =	shalt  }
0x81: {  	_ =	shalt  }
0x82: {  	_ =	shalt  }
0x83: {  	_ =	shalt  }
0x84: {  	_ =	shalt  }
0x85: {  	_ =	shalt  }
0x86: {  	_ =	shalt  }
0x87: {  	_ =	shalt  }
.Lfunc_end0:
.L_simem_size_0:
called_computation.1_lowered:
.L_overlay_start_0:
0x88: {  	s2 =	sld [smem:$0x3FD9]  }
0x89: {  	s3 =	sld [smem:$0x3FFE];
	_ =	sdelay $0x1  }
0x8a: {  	s1 =	srdreg.scid  }
0x8b: {  	s0 =	sand.u32 $0x1, s1  }
0x8c: {  	s17 =	sshll.u32 s0, $0xA;
	s2 =	sadd.s32 s3, s2  }
0x8d: {  	s2 =	sadd.s32 s2, s17  }
0x8e: {  	[smem:$0x3FC6] =	sst s2  }
0x8f: {  	_ = 	snop  }
0x90: {  	s2 =	sld [smem:$0x3FD0];
	(tm) =	ssettm $0x1  }
0x91: {  	s18 =	sld [smem:$0x3FFB];
	_ =	sdelay $0x3  }
0x92: {  	_ =	strace s18  }
0x93: {  	s3 =	sld [smem:$0x3FFC];
	_ =	sdelay $0x3  }
0x94: {  	_ =	strace s3  }
0x95: {  	s3 =	sld [smem:$0x3FFD];
	_ =	sdelay $0x3  }
0x96: {  	_ =	strace s3  }
0x97: {  	_ =	strace $0x8FFFFFFF  }
0x98: {  	s19 =	sld [smem:$0x3FDB];
	_ =	sdelay $0x1  }
0x99: {  	s4 =	simm.s32 $_scs_section_size  }
0x9a: {  	s5 =	simm.s32 $_size__tile_overlayer_lowered;
	s6 =	simm.s32 $_tile_overlayer_lowered  }
0x9b: {  	s22 =	simm.s32 $0x1BFF;
	s21 =	sshll.u32 s6, $0x1;
	s3 =	sadd.s32 s4, s19  }
0x9c: {  	s7 =	simm.s32 $0x0;
	s20 =	sshll.u32 s5, $0x1;
	s5 =	sadd.s32 s21, s3  }
0x9d: {  	[timem:s7], [sflag:s22] =	dma.local [hbm:s5], s20  }
0x9e: {  	_ =	swait.ge [sflag:s22], s20  }
0x9f: {  	s4 =	ssub.s32 $0x0, s20;
	[sflag:s22] =	ssyncset.done $0x0  }
0xa0: {  	[sflag:s22] =	ssyncadd.s32 s4;
	_ =	sdelay $0x1  }
0xa1: {  	s23 =	simm.s32 $0x1B8B  }
0xa2: {  	_ =	swait.ge [sflag:s23], $0x1  }
0xa3: {  	[sflag:s23] =	ssyncset.done $0x0  }
0xa4: {  	s25 =	simm.s32 $0x1B8E;
	s24 =	sld [smem:$0x3FFE];
	[sflag:s23] =	ssyncadd.s32 $0xFFFFFFFF  }
0xa5: {  	s26 =	simm.s32 $execute0_lowered;
	[smem:$0x3FD2] =	sst s25  }
0xa6: {  	s5 =	sshll.u32 s26, $0x1;
	_ =	strace $0x80000046;
	[dreg:$0x1] =	wrdreg $0xFFFFFFFF  }
0xa7: {  	s28 =	simm.s32 $_size_execute0_lowered;
	s3 =	sadd.s32 s3, s5;
	[dreg:$0x0] =	wrdreg $0x0  }
0xa8: {  	s5 =	sshll.u32 s28, $0x1;
	[dreg:$0x2] =	wrdreg s3  }
0xa9: {  	[dreg:$0x3] =	wrdreg s5  }
0xaa: {  	[dreg:$0x4] =	wrdreg $0xC0  }
0xab: {  	_ =	task [dreg:s7], $0x5FFFF  }
0xac: {  	[dreg:$0x1] =	wrdreg $0xFFFFFFFF  }
0xad: {  	[dreg:$0x0] =	wrdreg $0x60  }
0xae: {  	[dreg:$0x2] =	wrdreg s24  }
0xaf: {  	[dreg:$0x3] =	wrdreg s2  }
0xb0: {  	[dreg:$0x4] =	wrdreg $0x9  }
0xb1: {  	_ =	task.clear_ibuf [dreg:s7], $0x5FFFF;
	_ =	strace $0x90000046  }
0xb2: {  	s29 =	simm.s32 $0x9;
	_ =	strace $0x80000048  }
0xb3: {  	_ =	swait.ge [sflag:s29], $0x1  }
0xb4: {  	[sflag:s29] =	ssyncadd.s32 $0xFFFFFFFF  }
0xb5: {  	_ =	strace $0x90000048  }
0xb6: {  	_ =	sfence  }
0xb7: {  	s30 =	sld [smem:$0x0];
	_ =	sdelay $0x2  }
0xb8: {  	s31 =	sshll.u32 s1, $0xD;
	s1 =	sshrl.u32 s1, $0x2  }
0xb9: {  	s3 =	sand.u32 $0x4000, s31;
	s1 =	sadd.s32 s1, s30  }
0xba: {  	s0 =	sor.u32 s3, s0;
	s1 =	sshll.u32 s1, $0x11  }
0xbb: {  	s0 =	sor.u32 s1, s0  }
0xbc: {  	s0 =	sadd.s32 $0x8F2B, s0  }
0xbd: {  	[sflag:s0] =	ssyncadd.remote.s32 $0x1  }
0xbe: {  	_ =	sfence.sel $0xFFFF  }
0xbf: {  	[dreg:$0x0] =	wrdreg $0xFFFFFFFF;
	(pc) =	sbr.abs _section_cstart, $3  }
0xc0: {  	[dreg:$0x1] =	wrdreg $0xFFFFFFFF  }
0xc1: {  	_ =	task.clear_ibuf [dreg:s7], $0x2FFFF;
	_ =	strace $0x9FFFFFFF  }
0xc2: {  	(tm) =	ssettm $0x7FFFFFFF  }
0xc3: {  	_ =	shalt  }
tec
execute0_lowered:
.L_overlay_start_1:
0x0: {  	(tag) =	ssettag $0x1  }
0x1: {  	s0 =	srdreg.scid  }
0x2: {  	s10 =	stileid.u32;
	s1 =	rddreg [dreg:$0x0]  }
0x3: {  	s4 =	rddreg [dreg:$0x1];
	s14 =	simm.s32 $0x9;
	s15 =	simm.s32 $0x1A0  }
0x4: {  	s21 =	simm.s32 $0xDD00;
	s22 =	simm.s32 $0x1;
	s28 =	simm.s32 $0x17900  }
0x5: {  	s29 =	simm.s32 $0x4;
	s30 =	simm.s32 $0x1AD00;
	s5 =	smul.u32 $0x8200, s10  }
0x6: {  	s0 =	sand.u32 $0x1, s0;
	s2 =	sshll.u32 s10, $0x1;
	s25 =	smul.u32 $0x20800, s10  }
0x7: {  	s31 =	simm.s32 $0x5;
	s3 =	sor.u32 s0, s2;
	s7 =	smul.u32 $0x4100, s0  }
0x8: {  	s2 =	simm.s32 $0x0;
	s6 =	ssub.s32 $0x2, s0;
	s0 =	smul.u32 $0x10400, s0  }
0x9: {  	s18 =	simm.s32 $0x8;
	s3 =	smul.u32 $0x4100, s3;
	[smem:$0x7FF] =	sst s2  }
0xa: {  	s9 =	sshrl.u32 s6, $0x1;
	_ =	strace $0x80000047;
	s5 =	sadd.s32 s7, s5  }
0xb: {  	s23 =	ssub.s32 s6, s9;
	s3 =	sshrl.u32 s3, $0x3;
	s5 =	sshll.u32 s5, $0x2  }
0xc: {  	s8 =	sadd.s32 s3, s1;
	s3 =	sadd.s32 $0x27AD000, s1;
	s1 =	smax.u32 s23, $0x1  }
0xd: {  	s26 =	sadd.s32 s4, s5;
	s4 =	sadd.s32 s25, s4;
	s23 =	simm.s32 $0x11100  }
0xe: {  	s25 =	simm.s32 $0x14500;
	s5 =	simm.s32 $0x0;
	s24 =	sadd.s32 $0xC00, s8  }
.Ltmp0:
0xf: {  	[dreg:$0x4] =	wrdreg s1;
	s6 =	sadd.s32 $0x1380, s26;
	(pc) =	sbr.rel .LBB2_1-.Ltmp0, $4  }
0x10: {  	s7 =	sadd.s32 $0xD00, s26;
	s8 =	sadd.s32 $0x680, s26;
	s9 =	sadd.s32 s0, s4  }
0x11: {  	s10 =	sadd.s32 $0x2D80, s26;
	s11 =	sadd.s32 $0x2700, s26;
	s12 =	sadd.s32 $0x2080, s26  }
0x12: {  	s13 =	sadd.s32 $0x1A00, s26;
	s26 =	simm.s32 $0x3;
	s1 =	simm.s32 $0x6  }
0x13: {  	s0 =	simm.s32 $0x7;
	[dreg:$0x3] =	wrdreg s24;
	s24 =	simm.s32 $0x2  }
.LBB2_4:
0x14: {  	s5 =	rddreg [dreg:$0x5]  }
0x15: {  	s4 =	rddreg [dreg:$0x4];
	s5 =	sadd.s32 $0x1, s5  }
0x16: {  	p0 =	sne.s32 s5, s4  }
.Ltmp1:
0x17: {  	_ = 	snop;
	(pc) =	sbr.rel @!p0 .LBB2_5-.Ltmp1, $1  }
0x18: {  	_ =	sdelay $0x3  }
.LBB2_1:
0x19: {  	[dreg:$0x5] =	wrdreg s5  }
0x1a: {  	s4 =	rddreg [dreg:$0x3]  }
0x1b: {  	[tilespmem:s2], [sflag:$0x9] =	stream.linear.gather [hbm4b:s4+s2], $0x4100, $0x38;
	[tilespmem:$0x1E100] =	vst v63  }
0x1c: {  	_ =	swait.ge [sflag:s14], $0x4100  }
0x1d: {  	[sflag:s14] =	ssyncset.done $0x0  }
0x1e: {  	s5 =	simm.s32 $0x4100;
	[sflag:s14] =	ssyncadd.s32 $0xFFFFBF00  }
0x1f: {  	[tilespmem:s5], [sflag:$0x1] =	stream.indirect.gather [hbm4b:s3+s15], $0x20, s2, s15, $0xb8;
	[tilespmem:$0x1E100] =	vst v63  }
0x20: {  	s16 =	simm.s32 $0x7500  }
0x21: {  	[tilespmem:s16], [sflag:$0x2] =	stream.indirect.gather [hbm4b:s3+s15], $0x20, s15, s15, $0xb8;
	[tilespmem:$0x1E100] =	vst v63  }
0x22: {  	s17 =	simm.s32 $0x340;
	s19 =	simm.s32 $0xA900  }
0x23: {  	[tilespmem:s19], [sflag:$0x3] =	stream.indirect.gather [hbm4b:s3+s15], $0x20, s17, s15, $0xb8;
	[tilespmem:$0x1E100] =	vst v63  }
0x24: {  	s20 =	simm.s32 $0x4E0;
	s4 =	simm.s32 $0x0  }
0x25: {  	[tilespmem:s21], [sflag:$0x4] =	stream.indirect.gather [hbm4b:s3+s15], $0x20, s20, s15, $0xb8;
	[tilespmem:$0x1E100] =	vst v63  }
.LBB2_2:
0x26: {  	_ =	swait.ge [sflag:s22], $0x3400  }
0x27: {  	[sflag:s22] =	ssyncset.done $0x0  }
0x28: {  	s5 =	sadd.s32 s4, s9;
	s16 =	simm.s32 $0x4100;
	[sflag:s22] =	ssyncadd.s32 $0xFFFFCC00  }
0x29: {  	[hbm4b:s5+s2] =	stream.linear.scatter [tilespmem:s16], [sflag:$0x9], $0x3400, $0x38;
	[tilespmem:$0x1E100] =	vst v63  }
0x2a: {  	_ =	swait.ge [sflag:s14], $0x3400  }
0x2b: {  	s5 =	sshra.s32 s4, $0x2;
	[sflag:s14] =	ssyncset.done $0x0  }
0x2c: {  	s20 =	sadd.s32 $0x680, s5;
	[sflag:s14] =	ssyncadd.s32 $0xFFFFCC00  }
0x2d: {  	[tilespmem:s23], [sflag:$0x5] =	stream.indirect.gather [hbm4b:s3+s15], $0x20, s20, s15, $0xb8;
	[tilespmem:$0x1E100] =	vst v63  }
0x2e: {  	_ =	swait.ge [sflag:s24], $0x3400  }
0x2f: {  	[sflag:s24] =	ssyncset.done $0x0  }
0x30: {  	s17 =	sadd.s32 s4, s8;
	s19 =	simm.s32 $0x7500;
	[sflag:s24] =	ssyncadd.s32 $0xFFFFCC00  }
0x31: {  	[hbm4b:s17+s2] =	stream.linear.scatter [tilespmem:s19], [sflag:$0x9], $0x3400, $0x38;
	[tilespmem:$0x1E100] =	vst v63  }
0x32: {  	_ =	swait.ge [sflag:s14], $0x3400  }
0x33: {  	[sflag:s14] =	ssyncset.done $0x0  }
0x34: {  	s16 =	sadd.s32 $0x820, s5;
	[sflag:s14] =	ssyncadd.s32 $0xFFFFCC00  }
0x35: {  	[tilespmem:s25], [sflag:$0x6] =	stream.indirect.gather [hbm4b:s3+s15], $0x20, s16, s15, $0xb8;
	[tilespmem:$0x1E100] =	vst v63  }
0x36: {  	_ =	swait.ge [sflag:s26], $0x3400  }
0x37: {  	[sflag:s26] =	ssyncset.done $0x0  }
0x38: {  	s17 =	sadd.s32 s4, s7;
	s19 =	simm.s32 $0xA900;
	[sflag:s26] =	ssyncadd.s32 $0xFFFFCC00  }
0x39: {  	[hbm4b:s17+s2] =	stream.linear.scatter [tilespmem:s19], [sflag:$0x9], $0x3400, $0x38;
	[tilespmem:$0x1E100] =	vst v63  }
0x3a: {  	_ =	swait.ge [sflag:s14], $0x3400  }
0x3b: {  	[sflag:s14] =	ssyncset.done $0x0  }
0x3c: {  	s17 =	sadd.s32 $0x9C0, s5;
	[sflag:s14] =	ssyncadd.s32 $0xFFFFCC00  }
0x3d: {  	[tilespmem:s28], [sflag:$0x7] =	stream.indirect.gather [hbm4b:s3+s15], $0x20, s17, s15, $0xb8;
	[tilespmem:$0x1E100] =	vst v63  }
0x3e: {  	_ =	swait.ge [sflag:s29], $0x3400  }
0x3f: {  	[sflag:s29] =	ssyncset.done $0x0  }
0x40: {  	s19 =	sadd.s32 s4, s6;
	[sflag:s29] =	ssyncadd.s32 $0xFFFFCC00  }
0x41: {  	[hbm4b:s19+s2] =	stream.linear.scatter [tilespmem:s21], [sflag:$0x9], $0x3400, $0x38;
	[tilespmem:$0x1E100] =	vst v63  }
0x42: {  	_ =	swait.ge [sflag:s14], $0x3400  }
0x43: {  	[sflag:s14] =	ssyncset.done $0x0  }
0x44: {  	s16 =	sadd.s32 $0xB60, s5;
	[sflag:s14] =	ssyncadd.s32 $0xFFFFCC00  }
0x45: {  	[tilespmem:s30], [sflag:$0x8] =	stream.indirect.gather [hbm4b:s3+s15], $0x20, s16, s15, $0xb8;
	[tilespmem:$0x1E100] =	vst v63  }
0x46: {  	_ =	swait.ge [sflag:s31], $0x3400  }
0x47: {  	[sflag:s31] =	ssyncset.done $0x0  }
0x48: {  	s17 =	sadd.s32 s4, s13;
	[sflag:s31] =	ssyncadd.s32 $0xFFFFCC00  }
0x49: {  	[hbm4b:s17+s2] =	stream.linear.scatter [tilespmem:s23], [sflag:$0x9], $0x3400, $0x38;
	[tilespmem:$0x1E100] =	vst v63  }
0x4a: {  	p0 =	seq.s32 s4, $0xD000;
	_ =	swait.ge [sflag:s14], $0x3400  }
0x4b: {  	s20 =	sshra.s32 @!p0 s4, $0x2;
	s19 =	simm.s32 @!p0 $0x4100;
	[sflag:s14] =	ssyncset.done $0x0  }
0x4c: {  	s16 =	sadd.s32 @!p0 $0xD00, s20;
	s17 =	simm.s32 @!p0 $0x1A0;
	[sflag:s14] =	ssyncadd.s32 $0xFFFFCC00  }
0x4d: {  	[tilespmem:s19], [sflag:$0x1] =	stream.indirect.gather @!p0 [hbm4b:s3+s17], $0x20, s16, s17, $0xb8;
	[tilespmem:$0x1E100] =	vst v63  }
0x4e: {  	_ =	swait.ge [sflag:s1], $0x3400  }
0x4f: {  	[sflag:s1] =	ssyncset.done $0x0  }
0x50: {  	s19 =	sadd.s32 s4, s12;
	[sflag:s1] =	ssyncadd.s32 $0xFFFFCC00  }
0x51: {  	[hbm4b:s19+s2] =	stream.linear.scatter [tilespmem:s25], [sflag:$0x9], $0x3400, $0x38;
	[tilespmem:$0x1E100] =	vst v63  }
0x52: {  	_ =	swait.ge [sflag:s14], $0x3400  }
0x53: {  	[sflag:s14] =	ssyncset.done $0x0  }
0x54: {  	s16 =	sadd.s32 @!p0 $0xEA0, s20;
	s19 =	simm.s32 @!p0 $0x7500;
	[sflag:s14] =	ssyncadd.s32 $0xFFFFCC00  }
0x55: {  	[tilespmem:s19], [sflag:$0x2] =	stream.indirect.gather @!p0 [hbm4b:s3+s17], $0x20, s16, s17, $0xb8;
	[tilespmem:$0x1E100] =	vst v63  }
0x56: {  	_ =	swait.ge [sflag:s0], $0x3400  }
0x57: {  	[sflag:s0] =	ssyncset.done $0x0  }
0x58: {  	s19 =	sadd.s32 s4, s11;
	[sflag:s0] =	ssyncadd.s32 $0xFFFFCC00  }
0x59: {  	[hbm4b:s19+s2] =	stream.linear.scatter [tilespmem:s28], [sflag:$0x9], $0x3400, $0x38;
	[tilespmem:$0x1E100] =	vst v63  }
0x5a: {  	_ =	swait.ge [sflag:s14], $0x3400  }
0x5b: {  	[sflag:s14] =	ssyncset.done $0x0  }
0x5c: {  	s16 =	sadd.s32 @!p0 $0x1040, s20;
	s19 =	simm.s32 @!p0 $0xA900;
	[sflag:s14] =	ssyncadd.s32 $0xFFFFCC00  }
0x5d: {  	[tilespmem:s19], [sflag:$0x3] =	stream.indirect.gather @!p0 [hbm4b:s3+s17], $0x20, s16, s17, $0xb8;
	[tilespmem:$0x1E100] =	vst v63  }
0x5e: {  	_ =	swait.ge [sflag:s18], $0x3400  }
0x5f: {  	[sflag:s18] =	ssyncset.done $0x0  }
.Ltmp2:
0x60: {  	s20 =	sadd.s32 s4, s10;
	[sflag:s18] =	ssyncadd.s32 $0xFFFFCC00;
	(pc) =	sbr.rel @p0 .LBB2_4-.Ltmp2, $4  }
0x61: {  	[hbm4b:s20+s2] =	stream.linear.scatter [tilespmem:s30], [sflag:$0x9], $0x3400, $0x38;
	[tilespmem:$0x1E100] =	vst v63  }
0x62: {  	_ =	swait.ge [sflag:s14], $0x3400  }
0x63: {  	[sflag:s14] =	ssyncset.done $0x0  }
0x64: {  	[sflag:s14] =	ssyncadd.s32 $0xFFFFCC00  }
.Ltmp3:
0x65: {  	(pc) =	sbr.rel .LBB2_2-.Ltmp3, $3  }
0x66: {  	_ =	sdelay $0x1  }
0x67: {  	s5 =	sadd.s32 $0x11E0, s5;
	s4 =	sadd.s32 $0x3400, s4  }
0x68: {  	[tilespmem:s21], [sflag:$0x4] =	stream.indirect.gather [hbm4b:s3+s15], $0x20, s5, s15, $0xb8;
	[tilespmem:$0x1E100] =	vst v63  }
.LBB2_5:
0x69: {  	_ =	sfence.sel $0x180000  }
0x6a: {  	[bflag:$0x0] =	sbarrier.arrive $0xFFFF  }
0x6b: {  	_ =	strace $0x90000047  }
0x6c: {  	s0 =	stileid.u32;
	[bflag:$0x2] =	sbarrier.arrive $0xFFFF  }
0x6d: {  	p0 =	sne.s32 s0, $0x0;
	s0 =	rddreg [dreg:$0x2]  }
0x6e: {  	s0 =	sadd.s32 @!p0 $0x100000, s0  }
0x6f: {  	[sflag:s0] =	ssyncadd.tile.s32 @!p0 $0x1;
	_ =	shalt  }
.Lfunc_end2:
_tile_overlayer_lowered:
.L_overlay_start_2:
0x70: {  	(tag) =	ssettag $0x2  }
0x71: {  	s0 =	rddreg [dreg:$0x0];
	s2 =	stileid.u32  }
0x72: {  	s1 =	rddreg [dreg:$0x1];
	p0 =	sne.s32 s2, $0x0  }
0x73: {  	s3 =	rddreg [dreg:$0x2];
	[bflag:$0x3] =	sbarrier.arrive $0xFFFF;
	s2 =	simm.s32 @!p0 $0x1C09  }
0x74: {  	[timem:s3], [sflag:s2] =	dma.local @!p0 [hbm:s0], s1  }
0x75: {  	s0 =	simm.s32 @!p0 $0x9  }
0x76: {  	_ =	swait.ge @!p0 [sflag:s0], s1  }
0x77: {  	s1 =	ssub.s32 @!p0 $0x0, s1;
	[sflag:s0] =	ssyncset.done @!p0 $0x0  }
0x78: {  	[sflag:s0] =	ssyncadd.s32 @!p0 s1  }
0x79: {  	[bflag:$0x3] =	sbarrier.arrive $0xFFFF  }
0x7a: {  	_ =	shalt  }

// kernel: sparse-core-data-format-call.cloned.1.call-start
scs
called_computation_lowered:
.L_overlay_start_0:
0x0: {  	s2 =	sld [smem:$0x3FD9]  }
0x1: {  	s3 =	sld [smem:$0x3FFE];
	_ =	sdelay $0x1  }
0x2: {  	s1 =	srdreg.scid  }
0x3: {  	s0 =	sand.u32 $0x1, s1  }
0x4: {  	s18 =	sshll.u32 s0, $0xA;
	s2 =	sadd.s32 s3, s2  }
0x5: {  	s2 =	sadd.s32 s2, s18  }
0x6: {  	[smem:$0x3FC6] =	sst s2  }
0x7: {  	_ = 	snop  }
0x8: {  	s2 =	sld [smem:$0x3FD0];
	(tm) =	ssettm $0x1  }
0x9: {  	s19 =	sld [smem:$0x3FFB];
	_ =	sdelay $0x3  }
0xa: {  	_ =	strace s19  }
0xb: {  	s3 =	sld [smem:$0x3FFC];
	_ =	sdelay $0x3  }
0xc: {  	_ =	strace s3  }
0xd: {  	s3 =	sld [smem:$0x3FFD];
	_ =	sdelay $0x3  }
0xe: {  	_ =	strace s3  }
0xf: {  	_ =	strace $0x8FFFFFFF  }
0x10: {  	s20 =	sld [smem:$0x3FDB];
	_ =	sdelay $0x1  }
0x11: {  	s4 =	simm.s32 $_scs_section_size  }
0x12: {  	s5 =	simm.s32 $_size__tile_overlayer_lowered;
	s6 =	simm.s32 $_tile_overlayer_lowered  }
0x13: {  	s23 =	simm.s32 $0x1BFF;
	s22 =	sshll.u32 s6, $0x1;
	s3 =	sadd.s32 s4, s20  }
0x14: {  	s7 =	simm.s32 $0x0;
	s21 =	sshll.u32 s5, $0x1;
	s5 =	sadd.s32 s22, s3  }
0x15: {  	[timem:s7], [sflag:s23] =	dma.local [hbm:s5], s21  }
0x16: {  	_ =	swait.ge [sflag:s23], s21  }
0x17: {  	s4 =	ssub.s32 $0x0, s21;
	[sflag:s23] =	ssyncset.done $0x0  }
0x18: {  	[sflag:s23] =	ssyncadd.s32 s4;
	_ =	sdelay $0x1  }
0x19: {  	s24 =	simm.s32 $0x1B8B  }
0x1a: {  	_ =	swait.ge [sflag:s24], $0x1  }
0x1b: {  	[sflag:s24] =	ssyncset.done $0x0  }
0x1c: {  	s26 =	simm.s32 $0x1B8E;
	s25 =	sld [smem:$0x3FFE];
	[sflag:s24] =	ssyncadd.s32 $0xFFFFFFFF  }
0x1d: {  	s27 =	simm.s32 $execute0_lowered;
	[smem:$0x3FD2] =	sst s26  }
0x1e: {  	s5 =	sshll.u32 s27, $0x1;
	_ =	strace $0x80000049;
	[dreg:$0x1] =	wrdreg $0xFFFFFFFF  }
0x1f: {  	s28 =	simm.s32 $_size_execute0_lowered;
	s3 =	sadd.s32 s3, s5;
	[dreg:$0x0] =	wrdreg $0x0  }
0x20: {  	s5 =	sshll.u32 s28, $0x1;
	[dreg:$0x2] =	wrdreg s3  }
0x21: {  	[dreg:$0x3] =	wrdreg s5  }
0x22: {  	[dreg:$0x4] =	wrdreg $0xC0  }
0x23: {  	_ =	task [dreg:s7], $0x5FFFF  }
0x24: {  	[dreg:$0x1] =	wrdreg $0xFFFFFFFF  }
0x25: {  	[dreg:$0x0] =	wrdreg $0x60  }
0x26: {  	[dreg:$0x2] =	wrdreg s25  }
0x27: {  	[dreg:$0x3] =	wrdreg s2  }
0x28: {  	[dreg:$0x4] =	wrdreg $0x9  }
0x29: {  	_ =	task.clear_ibuf [dreg:s7], $0x5FFFF;
	_ =	strace $0x90000049  }
0x2a: {  	s29 =	simm.s32 $0x9;
	_ =	strace $0x8000004B  }
0x2b: {  	_ =	swait.ge [sflag:s29], $0x1  }
0x2c: {  	[sflag:s29] =	ssyncadd.s32 $0xFFFFFFFF  }
0x2d: {  	_ =	strace $0x9000004B  }
0x2e: {  	_ =	sfence  }
0x2f: {  	s30 =	sld [smem:$0x0];
	_ =	sdelay $0x2  }
0x30: {  	s31 =	sshll.u32 s1, $0xD;
	s1 =	sshrl.u32 s1, $0x2  }
0x31: {  	s3 =	sand.u32 $0x4000, s31;
	s1 =	sadd.s32 s1, s30  }
0x32: {  	s0 =	sor.u32 s3, s0;
	s1 =	sshll.u32 s1, $0x11  }
0x33: {  	s0 =	sor.u32 s1, s0  }
0x34: {  	s0 =	sadd.s32 $0x8F2B, s0  }
0x35: {  	[sflag:s0] =	ssyncadd.remote.s32 $0x1  }
0x36: {  	_ =	sfence.sel $0xFFFF  }
0x37: {  	[dreg:$0x0] =	wrdreg $0xFFFFFFFF;
	(pc) =	sbr.abs _section_cstart, $3  }
0x38: {  	[dreg:$0x1] =	wrdreg $0xFFFFFFFF  }
0x39: {  	_ =	task.clear_ibuf [dreg:s7], $0x2FFFF;
	_ =	strace $0x9FFFFFFF  }
0x3a: {  	(tm) =	ssettm $0x7FFFFFFF  }
0x3b: {  	_ =	shalt  }
tec
execute0_lowered:
.L_overlay_start_1:
0x0: {  	(tag) =	ssettag $0x1  }
0x1: {  	s0 =	stileid.u32  }
0x2: {  	s2 =	srdreg.scid;
	s7 =	rddreg [dreg:$0x0];
	s8 =	simm.s32 $0x2  }
0x3: {  	s17 =	simm.s32 $0x0;
	s9 =	simm.s32 $0x2000;
	s1 =	sshll.u32 s0, $0x7  }
0x4: {  	s3 =	sshll.u32 s0, $0x4;
	s2 =	sshll.u32 s2, $0x8;
	s1 =	sand.u32 $0x380, s1  }
0x5: {  	s19 =	simm.s32 $0x0;
	s2 =	sor.u32 s3, s2;
	s31 =	ssub.s32 $0x400, s1  }
0x6: {  	s18 =	simm.s32 $0x0;
	s2 =	sand.u32 $0x180, s2;
	s4 =	sand.u32 $0x380, s31  }
0x7: {  	s5 =	ssub.s32 $0x300, s2;
	p0 =	sne.s32 s4, $0x0;
	s4 =	simm.s32 $0x1  }
0x8: {  	s3 =	sshrl.u32 s31, $0xA;
	s5 =	sshrl.u32 s5, $0x9;
	s4 =	simm.s32 @!p0 $0x0  }
0x9: {  	s10 =	simm.s32 $0x0;
	s5 =	sadd.s32 $0x1, s5;
	s3 =	sadd.s32 s4, s3  }
0xa: {  	s11 =	simm.s32 $0x0;
	s12 =	simm.s32 $0x0;
	s6 =	smul.u32 s5, s3  }
.Ltmp0:
0xb: {  	s14 =	simm.s32 $0x0;
	s4 =	rddreg [dreg:$0x1];
	(pc) =	sbr.rel .LBB1_1-.Ltmp0, $4  }
0xc: {  	s16 =	simm.s32 $0x0;
	s7 =	sadd.s32 $0xC00, s7;
	s3 =	rddreg [dreg:$0x2]  }
0xd: {  	_ =	strace $0x8000004A;
	s5 =	simm.s32 $0x1;
	s6 =	smul.u32 $0x14, s6  }
0xe: {  	s15 =	smov.u32 s1;
	s13 =	smov.u32 s2;
	[sflag:s5] =	ssyncpa.u1 $0x0  }
0xf: {  	p0 =	por $0x0, $0x0;
	[sflag:s8] =	ssyncpa.u1 $0x0;
	s8 =	sor.u32 $0x1, s6  }
.LBB1_4:
0x10: {  	s25 =	sshll.u32 s10, $0xA;
	s24 =	sshra.s32 s24, $0x2;
	s26 =	sshll.u32 s12, $0x3  }
0x11: {  	p1 =	sgt.s32 s11, $0x13;
	s27 =	smov.u32 s11;
	s28 =	sshra.s32 s11, $0x1F  }
0x12: {  	p2 =	sgt.s32 s12, $0x380;
	s31 =	sshra.s32 s12, $0x1F;
	s25 =	sand.u32 $0xFFFFE000, s25  }
0x13: {  	s26 =	sand.u32 $0xFFFFFC00, s26;
	s27 =	simm.s32 @!p1 $0x13;
	s28 =	sand.u32 s28, s11  }
0x14: {  	[tilespmem:s22+$0x2040 ss:$0x81] =	vst.msk $0xffff, v4;
	s23 =	sadd.s32 s24, s23;
	s29 =	sadd.s32 s26, s25;
	s25 =	ssub.s32 s27, s28  }
0x15: {  	[tilespmem:s22+$0x2850 ss:$0x81] =	vst.msk $0xffff, v3;
	s27 =	smov.u32 s12;
	s28 =	smov.u32 s10;
	s26 =	sand.u32 s31, s12  }
0x16: {  	[tilespmem:s22+$0x3060 ss:$0x81] =	vst.msk $0xffff, v2;
	s24 =	sshrl.u32 s29, $0xA;
	s30 =	sadd.s32 $0xFFFFFFED, s25;
	s27 =	simm.s32 @!p2 $0x380  }
0x17: {  	v5 =	vld [tilespmem:s21+$0xFFFFFFD0];
	[tilespmem:s22+$0x0 ss:$0x81] =	vst.msk $0xffff, v1;
	p2 =	sgt.s32 s10, $0x2C0;
	s29 =	sshra.s32 s10, $0x1F;
	s22 =	ssub.s32 $0x14, s25  }
0x18: {  	v58 =	vld [tilespmem:s21+$0xFFFFFFE0];
	p1 =	sgt.s32 s30, $0x0;
	s28 =	simm.s32 @!p2 $0x2C0;
	s29 =	sand.u32 s29, s10  }
0x19: {  	v59 =	vld [tilespmem:s21+$0xFFFFFFF0];
	s26 =	ssub.s32 s27, s26;
	s27 =	smulhi.u32 $0x4EC4ED, s24;
	s28 =	ssub.s32 s28, s29  }
0x1a: {  	v60 =	vld [tilespmem:s21+$0x0];
	s30 =	sadd.s32 $0xFFFFFC80, s26;
	s25 =	ssub.s32 $0x400, s26;
	s22 =	simm.s32 @p1 $0x0  }
0x1b: {  	v61 =	vld [tilespmem:s21+$0x10];
	[tilespmem:s23+$0x3870 ss:$0x81] =	vst.msk $0xffff, v0;
	s29 =	sand.u32 $0x78, s12;
	p2 =	sgt.s32 s30, $0x7F;
	s31 =	sadd.s32 $0xFFFFFD40, s28  }
0x1c: {  	v62 =	vld [tilespmem:s21+$0x20];
	[tilespmem:s23+$0x810 ss:$0x81] =	vst.msk $0xffff, v5;
	s27 =	smul.u32 $0x340, s27;
	s30 =	sshll.u32 s10, $0x7;
	s28 =	ssub.s32 $0x340, s28  }
0x1d: {  	v63 =	vld [tilespmem:s21+$0xFFFFFFC0];
	[tilespmem:s23+$0x1020 ss:$0x81] =	vst.msk $0xffff, v58;
	s25 =	simm.s32 @p2 $0x0;
	p1 =	sgt.s32 s31, $0x7F;
	s31 =	smul.u32 $0x1A000, s11  }
0x1e: {  	[tilespmem:s23+$0x1830 ss:$0x81] =	vst.msk $0xffff, v59;
	s21 =	sand.u32 $0x380, s30;
	s22 =	smul.u32 s25, s22;
	s28 =	simm.s32 @p1 $0x0  }
0x1f: {  	[tilespmem:s23+$0x2040 ss:$0x81] =	vst.msk $0xffff, v60;
	s21 =	sor.u32 s29, s21;
	s24 =	ssub.s32 s24, s27;
	s29 =	sand.u32 $0x7, s12  }
0x20: {  	[tilespmem:s23+$0x2850 ss:$0x81] =	vst.msk $0xffff, v61;
	s21 =	sshrl.u32 s21, $0x3;
	s25 =	sadd.s32 s4, s31;
	s22 =	smul.u32 s28, s22  }
0x21: {  	[tilespmem:s23+$0x3060 ss:$0x81] =	vst.msk $0xffff, v62;
	s24 =	sshll.u32 s24, $0x7;
	s30 =	sshll.u32 s29, $0x12;
	s21 =	sadd.s32 s21, s25  }
0x22: {  	[tilespmem:s23+$0x0 ss:$0x81] =	vst.msk $0xffff, v63;
	s31 =	sor.u32 $0x400, s30;
	s21 =	sadd.s32 s24, s21;
	s22 =	sand.u32 $0x3FFFFFFF, s22  }
0x23: {  	[hbm4b:s21+s31] =	stream.strided.scatter [tilespmem:s20], [sflag:$0x2], s22, s9, s31, $0x20;
	[tilespmem:$0x10100] =	vst v63  }
.LBB1_5:
0x24: {  	p1 =	slt.u32 s16, $0x2  }
0x25: {  	p2 =	sgt.s32 @!p1 s19, $0x13  }
0x26: {  	s20 =	smov.u32 s19;
	s21 =	sshra.s32 @!p1 s19, $0x1F;
	p2 =	por !p2, p1  }
0x27: {  	s19 =	sand.u32 @!p1 s21, s19;
	s20 =	simm.s32 @p2 $0x13  }
0x28: {  	p3 =	sgt.s32 @!p1 s17, $0x2C0;
	s19 =	ssub.s32 @!p1 s20, s19  }
0x29: {  	p4 =	sgt.s32 @!p1 s18, $0x380;
	s22 =	sshra.s32 @!p1 s18, $0x1F;
	s20 =	sadd.s32 @!p1 $0xFFFFFFED, s19  }
0x2a: {  	s21 =	smov.u32 s17;
	p2 =	sgt.s32 @!p1 s20, $0x0;
	s20 =	sshra.s32 @!p1 s17, $0x1F  }
0x2b: {  	p4 =	por !p4, p1;
	s17 =	sand.u32 @!p1 s20, s17;
	s20 =	smov.u32 s18  }
0x2c: {  	p3 =	por !p3, p1;
	s18 =	sand.u32 @!p1 s22, s18;
	s20 =	simm.s32 @p4 $0x380  }
0x2d: {  	s21 =	simm.s32 @p3 $0x2C0;
	s19 =	ssub.s32 @!p1 $0x14, s19;
	s18 =	ssub.s32 @!p1 s20, s18  }
0x2e: {  	p2 =	por !p2, p1;
	s17 =	ssub.s32 @!p1 s21, s17;
	s21 =	sadd.s32 @!p1 $0xFFFFFC80, s18  }
0x2f: {  	s19 =	simm.s32 @!p2 $0x0;
	p3 =	sgt.s32 @!p1 s21, $0x7F  }
0x30: {  	s20 =	sadd.s32 @!p1 $0xFFFFFD40, s17;
	s18 =	ssub.s32 @!p1 $0x400, s18;
	p3 =	por !p3, p1  }
0x31: {  	p2 =	sgt.s32 @!p1 s20, $0x7F;
	s20 =	sadd.s32 $0x200, s13;
	s18 =	simm.s32 @!p3 $0x0  }
0x32: {  	p3 =	sgt.s32 s20, $0x33F;
	s18 =	smul.u32 @!p1 s18, s19;
	s19 =	simm.s32 $0x1  }
0x33: {  	s17 =	ssub.s32 @!p1 $0x340, s17;
	p2 =	por !p2, p1;
	s19 =	simm.s32 @!p3 $0x0  }
0x34: {  	s22 =	smov.u32 s15;
	s17 =	simm.s32 @!p2 $0x0;
	s21 =	sadd.s32 s19, s14  }
0x35: {  	s17 =	smul.u32 @!p1 s17, s18;
	s18 =	sadd.s32 $0x400, s15;
	p2 =	sgt.s32 s21, $0x13  }
0x36: {  	p0 =	por !p0, !p0;
	s23 =	simm.s32 @!p1 $0x2;
	s22 =	smov.u32 @p2 s18  }
0x37: {  	s20 =	smov.u32 @p3 s2;
	s21 =	simm.s32 @p2 $0x0;
	p2 =	sgt.s32 s22, $0x3FF  }
0x38: {  	s19 =	smov.u32 s11;
	s22 =	smov.u32 @p2 s1;
	p2 =	sne.s32 s16, s8  }
.Ltmp1:
0x39: {  	s11 =	smov.u32 s14;
	s17 =	sand.u32 @!p1 $0x3FFFFFFF, s17;
	(pc) =	sbr.rel @!p2 .LBB1_6-.Ltmp1, $4  }
0x3a: {  	s18 =	smov.u32 s12;
	s12 =	smov.u32 s15;
	_ =	swait.ge @!p1 [sflag:s23], s17  }
0x3b: {  	s24 =	ssub.s32 @!p1 $0x0, s17;
	s17 =	smov.u32 s10;
	s10 =	smov.u32 s13  }
0x3c: {  	s13 =	smov.u32 s20;
	s14 =	smov.u32 s21;
	[sflag:s23] =	ssyncset.done @!p1 $0x0  }
0x3d: {  	s16 =	sadd.s32 $0x1, s16;
	[sflag:s23] =	ssyncadd.s32 @!p1 s24;
	s15 =	smov.u32 s22  }
.LBB1_1:
0x3e: {  	p1 =	sge.u32 s16, s6  }
0x3f: {  	s20 =	sshrl.u32 @!p1 s14, $0x3  }
0x40: {  	s21 =	sshll.u32 @!p1 s13, $0x3;
	s20 =	smul.u32 @!p1 $0x1C00, s20  }
0x41: {  	s22 =	sshll.u32 @!p1 s14, $0x7;
	s21 =	sand.u32 @!p1 $0xFFFFFC00, s21  }
0x42: {  	s20 =	sadd.s32 @!p1 s20, s21;
	s21 =	sand.u32 @!p1 $0x380, s22  }
0x43: {  	s20 =	sor.u32 @!p1 s21, s20  }
0x44: {  	s21 =	sshrl.u32 @!p1 s20, $0x7  }
0x45: {  	s21 =	smulhi.u32 @!p1 $0x24924925, s21;
	_ =	sdelay $0x1  }
0x46: {  	s22 =	smulhi.u32 @!p1 $0xAAAAAAB, s21;
	_ =	sdelay $0x1  }
0x47: {  	s23 =	sand.u32 @!p1 $0x7F, s13;
	s22 =	smul.u32 @!p1 $0x18, s22  }
0x48: {  	s31 =	sadd.s32 $0xFFFFFFFF, s16;
	s20 =	sor.u32 @!p1 s23, s20;
	s23 =	smul.u32 @!p1 $0x380, s21  }
0x49: {  	s24 =	sxor.u32 @!p1 $0xFFFFFFFF, s16;
	s21 =	ssub.s32 @!p1 s21, s22;
	s22 =	smul.u32 @!p1 $0xA80, s15  }
0x4a: {  	s24 =	sshll.u32 @!p1 s24, $0xE;
	s20 =	ssub.s32 @!p1 s20, s23;
	s21 =	smul.u32 @!p1 $0x70, s21  }
0x4b: {  	s23 =	sand.u32 @!p1 $0x4000, s24;
	s24 =	sand.u32 @!p1 $0x7, s20;
	s22 =	sadd.s32 @!p1 s7, s22  }
0x4c: {  	s20 =	sshrl.u32 @!p1 s20, $0x3;
	s21 =	sadd.s32 @!p1 s21, s22;
	s22 =	sshll.u32 @!p1 s24, $0x12  }
0x4d: {  	s20 =	sadd.s32 @!p1 s20, s21;
	s21 =	sor.u32 @!p1 $0x80, s22;
	s22 =	simm.s32 @!p1 $0x5400  }
0x4e: {  	[tilespmem:s23], [sflag:$0x1] =	stream.strided.gather @!p1 [hbm4b:s20+s21], $0x4000, s22, s21, $0x38;
	[tilespmem:$0x10100] =	vst v63  }
0x4f: {  	p1 =	sge.u32 s31, s6  }
.Ltmp2:
0x50: {  	_ = 	snop;
	(pc) =	sbr.rel @p1 .LBB1_5-.Ltmp2, $1  }
0x51: {  	_ =	sdelay $0x3  }
0x52: {  	s20 =	simm.s32 $0x1  }
0x53: {  	_ =	swait.ge [sflag:s5], $0x4000;
	s20 =	simm.s32 @!p0 $0x0  }
0x54: {  	[sflag:s5] =	ssyncset.done $0x0;
	s21 =	sshll.u32 s20, $0xE  }
0x55: {  	[sflag:s5] =	ssyncadd.s32 $0xFFFFC000;
	s21 =	sor.u32 $0x40, s21  }
0x56: {  	s20 =	smul.u32 $0x10200, s20;
	v0 =	vld [tilespmem:s21+$0x30]  }
0x57: {  	v1 =	vld [tilespmem:s21+$0xFFFFFFD0]  }
0x58: {  	s20 =	sshrl.u32 s20, $0x2;
	v5 =	vld [tilespmem:s21+$0xFFFFFFE0]  }
0x59: {  	v6 =	vld [tilespmem:s21+$0xFFFFFFF0];
	s23 =	sor.u32 $0x8000, s20  }
0x5a: {  	s31 =	sand.u32 $0x1, s16;
	v4 =	vld [tilespmem:s21+$0x0];
	s22 =	sadd.s32 $0x0, s23  }
0x5b: {  	v3 =	vld [tilespmem:s21+$0x10];
	s20 =	smul.u32 $0x10200, s31;
	[tilespmem:s22+$0x3870 ss:$0x81] =	vst.msk $0xffff, v0  }
0x5c: {  	v2 =	vld [tilespmem:s21+$0x20];
	[tilespmem:s22+$0x810 ss:$0x81] =	vst.msk $0xffff, v1  }
0x5d: {  	s20 =	sshrl.u32 s20, $0x2;
	v1 =	vld [tilespmem:s21+$0xFFFFFFC0];
	[tilespmem:s22+$0x1020 ss:$0x81] =	vst.msk $0xffff, v5;
	s21 =	sadd.s32 $0x80, s21  }
0x5e: {  	s24 =	simm.s32 $0x4;
	s25 =	simm.s32 $0x8;
	s20 =	sor.u32 $0x8000, s20;
	[tilespmem:s22+$0x1830 ss:$0x81] =	vst.msk $0xffff, v6;
	v0 =	vld [tilespmem:s21+$0x30]  }
.LBB1_3:
0x5f: {  	p1 =	sne.s32 s25, $0x1FC;
	v5 =	vld [tilespmem:s21+$0xFFFFFFD0];
	[tilespmem:s22+$0x2040 ss:$0x81] =	vst.msk $0xffff, v4  }
0x60: {  	v6 =	vld [tilespmem:s21+$0xFFFFFFE0];
	[tilespmem:s22+$0x2850 ss:$0x81] =	vst.msk $0xffff, v3  }
0x61: {  	s26 =	sshra.s32 s24, $0x2;
	s24 =	smov.u32 s25;
	v7 =	vld [tilespmem:s21+$0xFFFFFFF0];
	[tilespmem:s22+$0x3060 ss:$0x81] =	vst.msk $0xffff, v2  }
.Ltmp3:
0x62: {  	v4 =	vld [tilespmem:s21+$0x0];
	[tilespmem:s22+$0x0 ss:$0x81] =	vst.msk $0xffff, v1;
	s22 =	sadd.s32 s26, s23;
	(pc) =	sbr.rel @p1 .LBB1_3-.Ltmp3, $4  }
0x63: {  	v3 =	vld [tilespmem:s21+$0x10];
	[tilespmem:s22+$0x3870 ss:$0x81] =	vst.msk $0xffff, v0  }
0x64: {  	[tilespmem:s22+$0x810 ss:$0x81] =	vst.msk $0xffff, v5;
	v2 =	vld [tilespmem:s21+$0x20]  }
0x65: {  	v1 =	vld [tilespmem:s21+$0xFFFFFFC0];
	[tilespmem:s22+$0x1020 ss:$0x81] =	vst.msk $0xffff, v6;
	s21 =	sadd.s32 $0x80, s21  }
0x66: {  	s25 =	sadd.s32 $0x4, s25;
	v0 =	vld [tilespmem:s21+$0x30];
	[tilespmem:s22+$0x1830 ss:$0x81] =	vst.msk $0xffff, v7  }
.Ltmp4:
0x67: {  	_ = 	snop;
	(pc) =	sbr.rel .LBB1_4-.Ltmp4, $1  }
0x68: {  	_ =	sdelay $0x3  }
.LBB1_6:
0x69: {  	_ =	sfence.sel $0x180000  }
0x6a: {  	s1 =	simm.s32 $0x1;
	[bflag:$0x0] =	sbarrier.arrive $0xFFFF  }
0x6b: {  	s31 =	simm.s32 $0x2;
	[sflag:s1] =	ssyncpa.u1 $0x1  }
0x6c: {  	[sflag:s31] =	ssyncpa.u1 $0x1  }
0x6d: {  	p0 =	sne.s32 s0, $0x0;
	_ =	strace $0x9000004A  }
0x6e: {  	s0 =	sadd.s32 @!p0 $0x100000, s3;
	[bflag:$0x2] =	sbarrier.arrive $0xFFFF  }
0x6f: {  	[sflag:s0] =	ssyncadd.tile.s32 @!p0 $0x1;
	_ =	shalt  }
.Lfunc_end1:
_tile_overlayer_lowered:
.L_overlay_start_2:
0x70: {  	(tag) =	ssettag $0x2  }
0x71: {  	s0 =	rddreg [dreg:$0x0];
	s2 =	stileid.u32  }
0x72: {  	s1 =	rddreg [dreg:$0x1];
	p0 =	sne.s32 s2, $0x0  }
0x73: {  	s3 =	rddreg [dreg:$0x2];
	[bflag:$0x3] =	sbarrier.arrive $0xFFFF;
	s2 =	simm.s32 @!p0 $0x1C01  }
0x74: {  	[timem:s3], [sflag:s2] =	dma.local @!p0 [hbm:s0], s1  }
0x75: {  	s0 =	simm.s32 @!p0 $0x1  }
0x76: {  	_ =	swait.ge @!p0 [sflag:s0], s1  }
0x77: {  	s1 =	ssub.s32 @!p0 $0x0, s1;
	[sflag:s0] =	ssyncset.done @!p0 $0x0  }
0x78: {  	[sflag:s0] =	ssyncadd.s32 @!p0 s1  }
0x79: {  	[bflag:$0x3] =	sbarrier.arrive $0xFFFF  }
0x7a: {  	_ =	shalt  }

</sc_bundles>
